<compile_context>
chip_gen: v7x
topology: tpu7x:2x2x1
jax: 0.10.2.dev20260603
libtpu: 0.0.44.dev20260713+nightly
codegen_flags: <defaults>
</compile_context>

<pallas_src>
import functools

import jax
import jax.numpy as jnp
from jax import lax
from jax.experimental import pallas as pl
from jax.experimental.pallas import tpu as pltpu
from jax.experimental.pallas import tpu_sc as plsc

VOCAB = 100000
EMBED = 64
NUM_ENTITIES = 50
B = 4096
L = 50

D_PAD = 128


_ROWS_BLK = 12800


def _proj_body(t_ref, w_ref, b_ref, o_ref):
    o_ref[...] = (
        jax.lax.dot_general(
            t_ref[...], w_ref[...],
            (((0,), (0,)), ((), ())),
            preferred_element_type=jnp.float32,
        )
        + b_ref[...]
    )


def _project(tableT, Wp, bp):
    return pl.pallas_call(
        _proj_body,
        grid=((VOCAB + _ROWS_BLK - 1) // _ROWS_BLK,),
        in_specs=[
            pl.BlockSpec((EMBED, _ROWS_BLK), lambda i: (0, i)),
            pl.BlockSpec((EMBED, D_PAD), lambda i: (0, 0)),
            pl.BlockSpec((1, D_PAD), lambda i: (0, 0)),
        ],
        out_specs=pl.BlockSpec((_ROWS_BLK, D_PAD), lambda i: (i, 0)),
        out_shape=jax.ShapeDtypeStruct((VOCAB, D_PAD), jnp.float32),
    )(tableT, Wp, bp)



_NC = 2
_NS = 16
_NW = _NC * _NS
_ROWS_W = B // _NW
_DEPTH = 8
_NITER = _ROWS_W // _DEPTH


def _gather(P, xp):
    mesh = plsc.VectorSubcoreMesh(core_axis_name="c", subcore_axis_name="s")

    @functools.partial(
        pl.kernel,
        mesh=mesh,
        out_type=jax.ShapeDtypeStruct((B, L, D_PAD), jnp.float32),
        scratch_types=[
            pltpu.VMEM((_ROWS_W, D_PAD), jnp.int32),
            [pltpu.VMEM((L, D_PAD), jnp.float32) for _ in range(_DEPTH)],
            [pltpu.SemaphoreType.DMA for _ in range(_DEPTH)],
        ],
    )
    def k(p_hbm, x_hbm, out_hbm, idx_v, bufs, sems):
        wid = lax.axis_index("s") * _NC + lax.axis_index("c")
        base = wid * _ROWS_W
        pltpu.sync_copy(x_hbm.at[pl.ds(base, _ROWS_W)], idx_v)

        def fetch(r, b):
            return pltpu.make_async_copy(
                p_hbm.at[idx_v.at[r, pl.ds(0, L)]], bufs[b], sems[b]
            )

        for b in range(_DEPTH - 1):
            fetch(b, b).start()

        def body(i, _):
            r0 = i * _DEPTH
            for b in range(_DEPTH):
                nxt = r0 + b + _DEPTH - 1
                tgt = (b - 1) % _DEPTH

                @pl.when(nxt < _ROWS_W)
                def _(nxt=nxt, tgt=tgt):
                    fetch(nxt, tgt).start()

                fetch(r0 + b, b).wait()
                pltpu.sync_copy(bufs[b], out_hbm.at[base + r0 + b])
            return 0

        lax.fori_loop(0, _NITER, body, 0)

    return k(P, xp)


def kernel(x, table, W, b):
    Wp = jnp.pad(W, ((0, 0), (0, D_PAD - NUM_ENTITIES)))
    bp = jnp.pad(b, (0, D_PAD - NUM_ENTITIES)).reshape(1, D_PAD)
    P = _project(table.T, Wp, bp)
    xp = jnp.pad(x.astype(jnp.int32), ((0, 0), (0, D_PAD - L)))
    out = _gather(P, xp)
    return out[:, :, :NUM_ENTITIES]

# --- scband reference (transcript-rebuilt; emitter-appended) ---
"""Pipeline reference for scband-po-sembedding-24541443130166 (READ-ONLY COPY).

The authoritative reference and input builder live on the scoring server;
editing this copy changes nothing except your own understanding.
"""

import jax, jax.numpy as jnp
import numpy as np

VOCAB = 100000
EMBED = 64
NUM_ENTITIES = 50
B = 4096
L = 50

def setup_inputs(seed: int = 0) -> dict:
    key = jax.random.key(seed)
    k1, k2, k3, k4 = jax.random.split(key, 4)
    x = jax.random.randint(k1, (B, L), 0, VOCAB, dtype=jnp.int64)
    # xavier_normal init for embedding weight: std = sqrt(2/(fan_in+fan_out))
    std_emb = float(np.sqrt(2.0 / (VOCAB + EMBED)))
    table = jax.random.normal(k2, (VOCAB, EMBED), dtype=jnp.float32) * std_emb
    # nn.Linear default init: uniform(-1/sqrt(in), 1/sqrt(in))
    bound = 1.0 / np.sqrt(EMBED)
    W = jax.random.uniform(k3, (EMBED, NUM_ENTITIES), dtype=jnp.float32, minval=-bound, maxval=bound)
    b = jax.random.uniform(k4, (NUM_ENTITIES,), dtype=jnp.float32, minval=-bound, maxval=bound)
    return {"x": x, "table": table, "W": W, "b": b}

def reference(x, table, W, b):
    # embedding lookup (gather)
    emb = jnp.take(table, x, axis=0)  # [B, L, EMBED]
    # linear projection to entity logits
    out = jnp.dot(emb, W) + b  # [B, L, NUM_ENTITIES]
    return out

if __name__ == "__main__":
    import jax
    _d = setup_inputs()
    print(jax.jit(kernel)(*tuple(_d.values())))

</pallas_src>

<mosaic_0001>
#map = affine_map<(d0, d1) -> (0, 0)>
#map1 = affine_map<(d0, d1) -> (0, 0, 0)>
module attributes {stable_mosaic.version = 14 : i64} {
  func.func @k(%arg0: i32, %arg1: i32, %arg2: memref<100000x128xf32, #tpu.memory_space<hbm>>, %arg3: memref<4096x128xi32, #tpu.memory_space<hbm>>, %arg4: memref<4096x50x128xf32, #tpu.memory_space<hbm>>, %arg5: memref<128x128xi32, #tpu.memory_space<vmem>>, %arg6: memref<50x128xf32, #tpu.memory_space<vmem>>, %arg7: memref<50x128xf32, #tpu.memory_space<vmem>>, %arg8: memref<50x128xf32, #tpu.memory_space<vmem>>, %arg9: memref<50x128xf32, #tpu.memory_space<vmem>>, %arg10: memref<50x128xf32, #tpu.memory_space<vmem>>, %arg11: memref<50x128xf32, #tpu.memory_space<vmem>>, %arg12: memref<50x128xf32, #tpu.memory_space<vmem>>, %arg13: memref<50x128xf32, #tpu.memory_space<vmem>>, %arg14: memref<!tpu.dma_semaphore, #tpu.memory_space<semaphore_mem>>, %arg15: memref<!tpu.dma_semaphore, #tpu.memory_space<semaphore_mem>>, %arg16: memref<!tpu.dma_semaphore, #tpu.memory_space<semaphore_mem>>, %arg17: memref<!tpu.dma_semaphore, #tpu.memory_space<semaphore_mem>>, %arg18: memref<!tpu.dma_semaphore, #tpu.memory_space<semaphore_mem>>, %arg19: memref<!tpu.dma_semaphore, #tpu.memory_space<semaphore_mem>>, %arg20: memref<!tpu.dma_semaphore, #tpu.memory_space<semaphore_mem>>, %arg21: memref<!tpu.dma_semaphore, #tpu.memory_space<semaphore_mem>>) attributes {dimension_semantics = [#tpu.dimension_semantics<core_parallel>, #tpu.dimension_semantics<subcore_parallel>], iteration_bounds = array<i64: 2, 16>, scalar_prefetch = 0 : i64, scratch_operands = 17 : i64, tpu.core_type = #tpu.core_type<sc_vector_subcore>, window_params = [{transform_indices = #map}, {transform_indices = #map}, {transform_indices = #map1}]} {
    %mul3A = arith.constant 2 : i32
    %mul3A_0 = arith.muli %arg1, %mul3A : i32
    %add3A = arith.addi %mul3A_0, %arg0 : i32
    %mul3A_1 = arith.constant 128 : i32
    %mul3A_2 = arith.muli %add3A, %mul3A_1 : i32
    "tpu.region"() ({
      %run_scoped3A = tpu.sem_alloc : memref<!tpu.dma_semaphore, #tpu.memory_space<semaphore_mem>>
      %dma_start3A_57 = arith.constant 0 : i32
      %dma_start3A_58 = tpu.memref_slice %arg3[%mul3A_2, %dma_start3A_57] : memref<4096x128xi32, #tpu.memory_space<hbm>> -> memref<128x128xi32, #tpu.memory_space<hbm>>
      %dma_start3A_59 = arith.constant 0 : i32
      %dma_start3A_60 = tpu.memref_slice %arg3[%mul3A_2, %dma_start3A_59] : memref<4096x128xi32, #tpu.memory_space<hbm>> -> memref<128x128xi32, #tpu.memory_space<hbm>>
      tpu.enqueue_dma source(%dma_start3A_60 : memref<128x128xi32, #tpu.memory_space<hbm>>) target(%arg5 : memref<128x128xi32, #tpu.memory_space<vmem>>) target_semaphore(%run_scoped3A : memref<!tpu.dma_semaphore, #tpu.memory_space<semaphore_mem>>)
      %dma_wait3A = arith.constant 0 : i32
      %dma_wait3A_61 = tpu.memref_slice %arg3[%mul3A_2, %dma_wait3A] : memref<4096x128xi32, #tpu.memory_space<hbm>> -> memref<128x128xi32, #tpu.memory_space<hbm>>
      %dma_wait3A_62 = arith.constant 0 : i32
      %dma_wait3A_63 = tpu.memref_slice %arg3[%mul3A_2, %dma_wait3A_62] : memref<4096x128xi32, #tpu.memory_space<hbm>> -> memref<128x128xi32, #tpu.memory_space<hbm>>
      tpu.wait_dma2 semaphore(%run_scoped3A : memref<!tpu.dma_semaphore, #tpu.memory_space<semaphore_mem>>) src(%dma_wait3A_63 : memref<128x128xi32, #tpu.memory_space<hbm>>) dst(%arg5 : memref<128x128xi32, #tpu.memory_space<vmem>>)
      tpu.yield
    }) : () -> ()
    %dma_start3A = arith.constant 0 : i32
    %dma_start3A_3 = arith.constant 0 : i32
    %dma_start3A_4 = tpu.memref_slice %arg5[%dma_start3A, %dma_start3A_3] : memref<128x128xi32, #tpu.memory_space<vmem>> -> memref<1x50xi32, #tpu.memory_space<vmem>>
    %dma_start3A_5 = tpu.memref_squeeze %dma_start3A_4 : memref<1x50xi32, #tpu.memory_space<vmem>> -> memref<50xi32, #tpu.memory_space<vmem>>
    %dma_start3A_6 = arith.constant 0 : i32
    %dma_start3A_7 = arith.constant 0 : i32
    %dma_start3A_8 = tpu.memref_slice %arg2[%dma_start3A_6, %dma_start3A_7] : memref<100000x128xf32, #tpu.memory_space<hbm>> -> memref<100000x128xf32, #tpu.memory_space<hbm>>
    tpu.enqueue_indirect_dma source(%dma_start3A_8 : memref<100000x128xf32, #tpu.memory_space<hbm>>) target(%arg6 : memref<50x128xf32, #tpu.memory_space<vmem>>) offsets(%dma_start3A_5 : memref<50xi32, #tpu.memory_space<vmem>>) semaphore(%arg14 : memref<!tpu.dma_semaphore, #tpu.memory_space<semaphore_mem>>)
    %dma_start3A_9 = arith.constant 1 : i32
    %dma_start3A_10 = arith.constant 0 : i32
    %dma_start3A_11 = tpu.memref_slice %arg5[%dma_start3A_9, %dma_start3A_10] : memref<128x128xi32, #tpu.memory_space<vmem>> -> memref<1x50xi32, #tpu.memory_space<vmem>>
    %dma_start3A_12 = tpu.memref_squeeze %dma_start3A_11 : memref<1x50xi32, #tpu.memory_space<vmem>> -> memref<50xi32, #tpu.memory_space<vmem>>
    %dma_start3A_13 = arith.constant 0 : i32
    %dma_start3A_14 = arith.constant 0 : i32
    %dma_start3A_15 = tpu.memref_slice %arg2[%dma_start3A_13, %dma_start3A_14] : memref<100000x128xf32, #tpu.memory_space<hbm>> -> memref<100000x128xf32, #tpu.memory_space<hbm>>
    tpu.enqueue_indirect_dma source(%dma_start3A_15 : memref<100000x128xf32, #tpu.memory_space<hbm>>) target(%arg7 : memref<50x128xf32, #tpu.memory_space<vmem>>) offsets(%dma_start3A_12 : memref<50xi32, #tpu.memory_space<vmem>>) semaphore(%arg15 : memref<!tpu.dma_semaphore, #tpu.memory_space<semaphore_mem>>)
    %dma_start3A_16 = arith.constant 2 : i32
    %dma_start3A_17 = arith.constant 0 : i32
    %dma_start3A_18 = tpu.memref_slice %arg5[%dma_start3A_16, %dma_start3A_17] : memref<128x128xi32, #tpu.memory_space<vmem>> -> memref<1x50xi32, #tpu.memory_space<vmem>>
    %dma_start3A_19 = tpu.memref_squeeze %dma_start3A_18 : memref<1x50xi32, #tpu.memory_space<vmem>> -> memref<50xi32, #tpu.memory_space<vmem>>
    %dma_start3A_20 = arith.constant 0 : i32
    %dma_start3A_21 = arith.constant 0 : i32
    %dma_start3A_22 = tpu.memref_slice %arg2[%dma_start3A_20, %dma_start3A_21] : memref<100000x128xf32, #tpu.memory_space<hbm>> -> memref<100000x128xf32, #tpu.memory_space<hbm>>
    tpu.enqueue_indirect_dma source(%dma_start3A_22 : memref<100000x128xf32, #tpu.memory_space<hbm>>) target(%arg8 : memref<50x128xf32, #tpu.memory_space<vmem>>) offsets(%dma_start3A_19 : memref<50xi32, #tpu.memory_space<vmem>>) semaphore(%arg16 : memref<!tpu.dma_semaphore, #tpu.memory_space<semaphore_mem>>)
    %dma_start3A_23 = arith.constant 3 : i32
    %dma_start3A_24 = arith.constant 0 : i32
    %dma_start3A_25 = tpu.memref_slice %arg5[%dma_start3A_23, %dma_start3A_24] : memref<128x128xi32, #tpu.memory_space<vmem>> -> memref<1x50xi32, #tpu.memory_space<vmem>>
    %dma_start3A_26 = tpu.memref_squeeze %dma_start3A_25 : memref<1x50xi32, #tpu.memory_space<vmem>> -> memref<50xi32, #tpu.memory_space<vmem>>
    %dma_start3A_27 = arith.constant 0 : i32
    %dma_start3A_28 = arith.constant 0 : i32
    %dma_start3A_29 = tpu.memref_slice %arg2[%dma_start3A_27, %dma_start3A_28] : memref<100000x128xf32, #tpu.memory_space<hbm>> -> memref<100000x128xf32, #tpu.memory_space<hbm>>
    tpu.enqueue_indirect_dma source(%dma_start3A_29 : memref<100000x128xf32, #tpu.memory_space<hbm>>) target(%arg9 : memref<50x128xf32, #tpu.memory_space<vmem>>) offsets(%dma_start3A_26 : memref<50xi32, #tpu.memory_space<vmem>>) semaphore(%arg17 : memref<!tpu.dma_semaphore, #tpu.memory_space<semaphore_mem>>)
    %dma_start3A_30 = arith.constant 4 : i32
    %dma_start3A_31 = arith.constant 0 : i32
    %dma_start3A_32 = tpu.memref_slice %arg5[%dma_start3A_30, %dma_start3A_31] : memref<128x128xi32, #tpu.memory_space<vmem>> -> memref<1x50xi32, #tpu.memory_space<vmem>>
    %dma_start3A_33 = tpu.memref_squeeze %dma_start3A_32 : memref<1x50xi32, #tpu.memory_space<vmem>> -> memref<50xi32, #tpu.memory_space<vmem>>
    %dma_start3A_34 = arith.constant 0 : i32
    %dma_start3A_35 = arith.constant 0 : i32
    %dma_start3A_36 = tpu.memref_slice %arg2[%dma_start3A_34, %dma_start3A_35] : memref<100000x128xf32, #tpu.memory_space<hbm>> -> memref<100000x128xf32, #tpu.memory_space<hbm>>
    tpu.enqueue_indirect_dma source(%dma_start3A_36 : memref<100000x128xf32, #tpu.memory_space<hbm>>) target(%arg10 : memref<50x128xf32, #tpu.memory_space<vmem>>) offsets(%dma_start3A_33 : memref<50xi32, #tpu.memory_space<vmem>>) semaphore(%arg18 : memref<!tpu.dma_semaphore, #tpu.memory_space<semaphore_mem>>)
    %dma_start3A_37 = arith.constant 5 : i32
    %dma_start3A_38 = arith.constant 0 : i32
    %dma_start3A_39 = tpu.memref_slice %arg5[%dma_start3A_37, %dma_start3A_38] : memref<128x128xi32, #tpu.memory_space<vmem>> -> memref<1x50xi32, #tpu.memory_space<vmem>>
    %dma_start3A_40 = tpu.memref_squeeze %dma_start3A_39 : memref<1x50xi32, #tpu.memory_space<vmem>> -> memref<50xi32, #tpu.memory_space<vmem>>
    %dma_start3A_41 = arith.constant 0 : i32
    %dma_start3A_42 = arith.constant 0 : i32
    %dma_start3A_43 = tpu.memref_slice %arg2[%dma_start3A_41, %dma_start3A_42] : memref<100000x128xf32, #tpu.memory_space<hbm>> -> memref<100000x128xf32, #tpu.memory_space<hbm>>
    tpu.enqueue_indirect_dma source(%dma_start3A_43 : memref<100000x128xf32, #tpu.memory_space<hbm>>) target(%arg11 : memref<50x128xf32, #tpu.memory_space<vmem>>) offsets(%dma_start3A_40 : memref<50xi32, #tpu.memory_space<vmem>>) semaphore(%arg19 : memref<!tpu.dma_semaphore, #tpu.memory_space<semaphore_mem>>)
    %dma_start3A_44 = arith.constant 6 : i32
    %dma_start3A_45 = arith.constant 0 : i32
    %dma_start3A_46 = tpu.memref_slice %arg5[%dma_start3A_44, %dma_start3A_45] : memref<128x128xi32, #tpu.memory_space<vmem>> -> memref<1x50xi32, #tpu.memory_space<vmem>>
    %dma_start3A_47 = tpu.memref_squeeze %dma_start3A_46 : memref<1x50xi32, #tpu.memory_space<vmem>> -> memref<50xi32, #tpu.memory_space<vmem>>
    %dma_start3A_48 = arith.constant 0 : i32
    %dma_start3A_49 = arith.constant 0 : i32
    %dma_start3A_50 = tpu.memref_slice %arg2[%dma_start3A_48, %dma_start3A_49] : memref<100000x128xf32, #tpu.memory_space<hbm>> -> memref<100000x128xf32, #tpu.memory_space<hbm>>
    tpu.enqueue_indirect_dma source(%dma_start3A_50 : memref<100000x128xf32, #tpu.memory_space<hbm>>) target(%arg12 : memref<50x128xf32, #tpu.memory_space<vmem>>) offsets(%dma_start3A_47 : memref<50xi32, #tpu.memory_space<vmem>>) semaphore(%arg20 : memref<!tpu.dma_semaphore, #tpu.memory_space<semaphore_mem>>)
    %scan3A = arith.constant 0 : i32
    %scan3A_51 = arith.constant 0 : i32
    %scan3A_52 = arith.constant 16 : i32
    %scan3A_53 = arith.addi %scan3A_51, %scan3A_52 : i32
    %scan3A_54 = arith.constant 1 : i32
    %scan3A_55 = scf.for %scan3A_57 = %scan3A_51 to %scan3A_53 step %scan3A_54 iter_args(%scan3A_58 = %scan3A) -> (i32)  : i32 {
      %mul3A_59 = arith.constant 8 : i32
      %mul3A_60 = arith.muli %scan3A_57, %mul3A_59 : i32
      %add3A_61 = arith.constant 0 : i32
      %add3A_62 = arith.addi %mul3A_60, %add3A_61 : i32
      %add3A_63 = arith.constant 8 : i32
      %add3A_64 = arith.addi %add3A_62, %add3A_63 : i32
      %sub3A = arith.constant 1 : i32
      %sub3A_65 = arith.subi %add3A_64, %sub3A : i32
      %lt3A = arith.constant 128 : i32
      %lt3A_66 = arith.cmpi slt, %sub3A_65, %lt3A : i32
      %convert_element_type3A = arith.extui %lt3A_66 : i1 to i32
      %cond3A = arith.constant 0 : i32
      %cond3A_67 = arith.cmpi ne, %convert_element_type3A, %cond3A : i32
      scf.if %cond3A_67 {
        %dma_start3A_233 = arith.constant 0 : i32
        %dma_start3A_234 = tpu.memref_slice %arg5[%sub3A_65, %dma_start3A_233] : memref<128x128xi32, #tpu.memory_space<vmem>> -> memref<1x50xi32, #tpu.memory_space<vmem>>
        %dma_start3A_235 = tpu.memref_squeeze %dma_start3A_234 : memref<1x50xi32, #tpu.memory_space<vmem>> -> memref<50xi32, #tpu.memory_space<vmem>>
        %dma_start3A_236 = arith.constant 0 : i32
        %dma_start3A_237 = arith.constant 0 : i32
        %dma_start3A_238 = tpu.memref_slice %arg2[%dma_start3A_236, %dma_start3A_237] : memref<100000x128xf32, #tpu.memory_space<hbm>> -> memref<100000x128xf32, #tpu.memory_space<hbm>>
        tpu.enqueue_indirect_dma source(%dma_start3A_238 : memref<100000x128xf32, #tpu.memory_space<hbm>>) target(%arg13 : memref<50x128xf32, #tpu.memory_space<vmem>>) offsets(%dma_start3A_235 : memref<50xi32, #tpu.memory_space<vmem>>) semaphore(%arg21 : memref<!tpu.dma_semaphore, #tpu.memory_space<semaphore_mem>>)
      } else {
      }
      %add3A_68 = arith.constant 0 : i32
      %add3A_69 = arith.addi %mul3A_60, %add3A_68 : i32
      %dma_wait3A = arith.constant 0 : i32
      %dma_wait3A_70 = tpu.memref_slice %arg5[%add3A_69, %dma_wait3A] : memref<128x128xi32, #tpu.memory_space<vmem>> -> memref<1x50xi32, #tpu.memory_space<vmem>>
      %dma_wait3A_71 = tpu.memref_squeeze %dma_wait3A_70 : memref<1x50xi32, #tpu.memory_space<vmem>> -> memref<50xi32, #tpu.memory_space<vmem>>
      %dma_wait3A_72 = arith.constant 0 : i32
      %dma_wait3A_73 = arith.constant 0 : i32
      %dma_wait3A_74 = tpu.memref_slice %arg2[%dma_wait3A_72, %dma_wait3A_73] : memref<100000x128xf32, #tpu.memory_space<hbm>> -> memref<100000x128xf32, #tpu.memory_space<hbm>>
      tpu.wait_indirect_dma semaphore(%arg14 : memref<!tpu.dma_semaphore, #tpu.memory_space<semaphore_mem>>) src(%dma_wait3A_74 : memref<100000x128xf32, #tpu.memory_space<hbm>>) dst(%arg6 : memref<50x128xf32, #tpu.memory_space<vmem>>)
      %add3A_75 = arith.addi %mul3A_2, %mul3A_60 : i32
      %add3A_76 = arith.constant 0 : i32
      %add3A_77 = arith.addi %add3A_75, %add3A_76 : i32
      "tpu.region"() ({
        %run_scoped3A = tpu.sem_alloc : memref<!tpu.dma_semaphore, #tpu.memory_space<semaphore_mem>>
        %dma_start3A_233 = arith.constant 0 : i32
        %dma_start3A_234 = arith.constant 0 : i32
        %dma_start3A_235 = tpu.memref_slice %arg4[%add3A_77, %dma_start3A_233, %dma_start3A_234] : memref<4096x50x128xf32, #tpu.memory_space<hbm>> -> memref<1x50x128xf32, #tpu.memory_space<hbm>>
        %dma_start3A_236 = tpu.memref_squeeze %dma_start3A_235 : memref<1x50x128xf32, #tpu.memory_space<hbm>> -> memref<50x128xf32, #tpu.memory_space<hbm>>
        %dma_start3A_237 = arith.constant 0 : i32
        %dma_start3A_238 = arith.constant 0 : i32
        %dma_start3A_239 = tpu.memref_slice %arg4[%add3A_77, %dma_start3A_237, %dma_start3A_238] : memref<4096x50x128xf32, #tpu.memory_space<hbm>> -> memref<1x50x128xf32, #tpu.memory_space<hbm>>
        %dma_start3A_240 = tpu.memref_squeeze %dma_start3A_239 : memref<1x50x128xf32, #tpu.memory_space<hbm>> -> memref<50x128xf32, #tpu.memory_space<hbm>>
        tpu.enqueue_dma source(%arg6 : memref<50x128xf32, #tpu.memory_space<vmem>>) target(%dma_start3A_240 : memref<50x128xf32, #tpu.memory_space<hbm>>) target_semaphore(%run_scoped3A : memref<!tpu.dma_semaphore, #tpu.memory_space<semaphore_mem>>)
        %dma_wait3A_241 = arith.constant 0 : i32
        %dma_wait3A_242 = arith.constant 0 : i32
        %dma_wait3A_243 = tpu.memref_slice %arg4[%add3A_77, %dma_wait3A_241, %dma_wait3A_242] : memref<4096x50x128xf32, #tpu.memory_space<hbm>> -> memref<1x50x128xf32, #tpu.memory_space<hbm>>
        %dma_wait3A_244 = tpu.memref_squeeze %dma_wait3A_243 : memref<1x50x128xf32, #tpu.memory_space<hbm>> -> memref<50x128xf32, #tpu.memory_space<hbm>>
        %dma_wait3A_245 = arith.constant 0 : i32
        %dma_wait3A_246 = arith.constant 0 : i32
        %dma_wait3A_247 = tpu.memref_slice %arg4[%add3A_77, %dma_wait3A_245, %dma_wait3A_246] : memref<4096x50x128xf32, #tpu.memory_space<hbm>> -> memref<1x50x128xf32, #tpu.memory_space<hbm>>
        %dma_wait3A_248 = tpu.memref_squeeze %dma_wait3A_247 : memref<1x50x128xf32, #tpu.memory_space<hbm>> -> memref<50x128xf32, #tpu.memory_space<hbm>>
        tpu.wait_dma2 semaphore(%run_scoped3A : memref<!tpu.dma_semaphore, #tpu.memory_space<semaphore_mem>>) src(%arg6 : memref<50x128xf32, #tpu.memory_space<vmem>>) dst(%dma_wait3A_248 : memref<50x128xf32, #tpu.memory_space<hbm>>)
        tpu.yield
      }) : () -> ()
      %add3A_78 = arith.constant 1 : i32
      %add3A_79 = arith.addi %mul3A_60, %add3A_78 : i32
      %add3A_80 = arith.constant 8 : i32
      %add3A_81 = arith.addi %add3A_79, %add3A_80 : i32
      %sub3A_82 = arith.constant 1 : i32
      %sub3A_83 = arith.subi %add3A_81, %sub3A_82 : i32
      %lt3A_84 = arith.constant 128 : i32
      %lt3A_85 = arith.cmpi slt, %sub3A_83, %lt3A_84 : i32
      %convert_element_type3A_86 = arith.extui %lt3A_85 : i1 to i32
      %cond3A_87 = arith.constant 0 : i32
      %cond3A_88 = arith.cmpi ne, %convert_element_type3A_86, %cond3A_87 : i32
      scf.if %cond3A_88 {
        %dma_start3A_233 = arith.constant 0 : i32
        %dma_start3A_234 = tpu.memref_slice %arg5[%sub3A_83, %dma_start3A_233] : memref<128x128xi32, #tpu.memory_space<vmem>> -> memref<1x50xi32, #tpu.memory_space<vmem>>
        %dma_start3A_235 = tpu.memref_squeeze %dma_start3A_234 : memref<1x50xi32, #tpu.memory_space<vmem>> -> memref<50xi32, #tpu.memory_space<vmem>>
        %dma_start3A_236 = arith.constant 0 : i32
        %dma_start3A_237 = arith.constant 0 : i32
        %dma_start3A_238 = tpu.memref_slice %arg2[%dma_start3A_236, %dma_start3A_237] : memref<100000x128xf32, #tpu.memory_space<hbm>> -> memref<100000x128xf32, #tpu.memory_space<hbm>>
        tpu.enqueue_indirect_dma source(%dma_start3A_238 : memref<100000x128xf32, #tpu.memory_space<hbm>>) target(%arg6 : memref<50x128xf32, #tpu.memory_space<vmem>>) offsets(%dma_start3A_235 : memref<50xi32, #tpu.memory_space<vmem>>) semaphore(%arg14 : memref<!tpu.dma_semaphore, #tpu.memory_space<semaphore_mem>>)
      } else {
      }
      %add3A_89 = arith.constant 1 : i32
      %add3A_90 = arith.addi %mul3A_60, %add3A_89 : i32
      %dma_wait3A_91 = arith.constant 0 : i32
      %dma_wait3A_92 = tpu.memref_slice %arg5[%add3A_90, %dma_wait3A_91] : memref<128x128xi32, #tpu.memory_space<vmem>> -> memref<1x50xi32, #tpu.memory_space<vmem>>
      %dma_wait3A_93 = tpu.memref_squeeze %dma_wait3A_92 : memref<1x50xi32, #tpu.memory_space<vmem>> -> memref<50xi32, #tpu.memory_space<vmem>>
      %dma_wait3A_94 = arith.constant 0 : i32
      %dma_wait3A_95 = arith.constant 0 : i32
      %dma_wait3A_96 = tpu.memref_slice %arg2[%dma_wait3A_94, %dma_wait3A_95] : memref<100000x128xf32, #tpu.memory_space<hbm>> -> memref<100000x128xf32, #tpu.memory_space<hbm>>
      tpu.wait_indirect_dma semaphore(%arg15 : memref<!tpu.dma_semaphore, #tpu.memory_space<semaphore_mem>>) src(%dma_wait3A_96 : memref<100000x128xf32, #tpu.memory_space<hbm>>) dst(%arg7 : memref<50x128xf32, #tpu.memory_space<vmem>>)
      %add3A_97 = arith.addi %mul3A_2, %mul3A_60 : i32
      %add3A_98 = arith.constant 1 : i32
      %add3A_99 = arith.addi %add3A_97, %add3A_98 : i32
      "tpu.region"() ({
        %run_scoped3A = tpu.sem_alloc : memref<!tpu.dma_semaphore, #tpu.memory_space<semaphore_mem>>
        %dma_start3A_233 = arith.constant 0 : i32
        %dma_start3A_234 = arith.constant 0 : i32
        %dma_start3A_235 = tpu.memref_slice %arg4[%add3A_99, %dma_start3A_233, %dma_start3A_234] : memref<4096x50x128xf32, #tpu.memory_space<hbm>> -> memref<1x50x128xf32, #tpu.memory_space<hbm>>
        %dma_start3A_236 = tpu.memref_squeeze %dma_start3A_235 : memref<1x50x128xf32, #tpu.memory_space<hbm>> -> memref<50x128xf32, #tpu.memory_space<hbm>>
        %dma_start3A_237 = arith.constant 0 : i32
        %dma_start3A_238 = arith.constant 0 : i32
        %dma_start3A_239 = tpu.memref_slice %arg4[%add3A_99, %dma_start3A_237, %dma_start3A_238] : memref<4096x50x128xf32, #tpu.memory_space<hbm>> -> memref<1x50x128xf32, #tpu.memory_space<hbm>>
        %dma_start3A_240 = tpu.memref_squeeze %dma_start3A_239 : memref<1x50x128xf32, #tpu.memory_space<hbm>> -> memref<50x128xf32, #tpu.memory_space<hbm>>
        tpu.enqueue_dma source(%arg7 : memref<50x128xf32, #tpu.memory_space<vmem>>) target(%dma_start3A_240 : memref<50x128xf32, #tpu.memory_space<hbm>>) target_semaphore(%run_scoped3A : memref<!tpu.dma_semaphore, #tpu.memory_space<semaphore_mem>>)
        %dma_wait3A_241 = arith.constant 0 : i32
        %dma_wait3A_242 = arith.constant 0 : i32
        %dma_wait3A_243 = tpu.memref_slice %arg4[%add3A_99, %dma_wait3A_241, %dma_wait3A_242] : memref<4096x50x128xf32, #tpu.memory_space<hbm>> -> memref<1x50x128xf32, #tpu.memory_space<hbm>>
        %dma_wait3A_244 = tpu.memref_squeeze %dma_wait3A_243 : memref<1x50x128xf32, #tpu.memory_space<hbm>> -> memref<50x128xf32, #tpu.memory_space<hbm>>
        %dma_wait3A_245 = arith.constant 0 : i32
        %dma_wait3A_246 = arith.constant 0 : i32
        %dma_wait3A_247 = tpu.memref_slice %arg4[%add3A_99, %dma_wait3A_245, %dma_wait3A_246] : memref<4096x50x128xf32, #tpu.memory_space<hbm>> -> memref<1x50x128xf32, #tpu.memory_space<hbm>>
        %dma_wait3A_248 = tpu.memref_squeeze %dma_wait3A_247 : memref<1x50x128xf32, #tpu.memory_space<hbm>> -> memref<50x128xf32, #tpu.memory_space<hbm>>
        tpu.wait_dma2 semaphore(%run_scoped3A : memref<!tpu.dma_semaphore, #tpu.memory_space<semaphore_mem>>) src(%arg7 : memref<50x128xf32, #tpu.memory_space<vmem>>) dst(%dma_wait3A_248 : memref<50x128xf32, #tpu.memory_space<hbm>>)
        tpu.yield
      }) : () -> ()
      %add3A_100 = arith.constant 2 : i32
      %add3A_101 = arith.addi %mul3A_60, %add3A_100 : i32
      %add3A_102 = arith.constant 8 : i32
      %add3A_103 = arith.addi %add3A_101, %add3A_102 : i32
      %sub3A_104 = arith.constant 1 : i32
      %sub3A_105 = arith.subi %add3A_103, %sub3A_104 : i32
      %lt3A_106 = arith.constant 128 : i32
      %lt3A_107 = arith.cmpi slt, %sub3A_105, %lt3A_106 : i32
      %convert_element_type3A_108 = arith.extui %lt3A_107 : i1 to i32
      %cond3A_109 = arith.constant 0 : i32
      %cond3A_110 = arith.cmpi ne, %convert_element_type3A_108, %cond3A_109 : i32
      scf.if %cond3A_110 {
        %dma_start3A_233 = arith.constant 0 : i32
        %dma_start3A_234 = tpu.memref_slice %arg5[%sub3A_105, %dma_start3A_233] : memref<128x128xi32, #tpu.memory_space<vmem>> -> memref<1x50xi32, #tpu.memory_space<vmem>>
        %dma_start3A_235 = tpu.memref_squeeze %dma_start3A_234 : memref<1x50xi32, #tpu.memory_space<vmem>> -> memref<50xi32, #tpu.memory_space<vmem>>
        %dma_start3A_236 = arith.constant 0 : i32
        %dma_start3A_237 = arith.constant 0 : i32
        %dma_start3A_238 = tpu.memref_slice %arg2[%dma_start3A_236, %dma_start3A_237] : memref<100000x128xf32, #tpu.memory_space<hbm>> -> memref<100000x128xf32, #tpu.memory_space<hbm>>
        tpu.enqueue_indirect_dma source(%dma_start3A_238 : memref<100000x128xf32, #tpu.memory_space<hbm>>) target(%arg7 : memref<50x128xf32, #tpu.memory_space<vmem>>) offsets(%dma_start3A_235 : memref<50xi32, #tpu.memory_space<vmem>>) semaphore(%arg15 : memref<!tpu.dma_semaphore, #tpu.memory_space<semaphore_mem>>)
      } else {
      }
      %add3A_111 = arith.constant 2 : i32
      %add3A_112 = arith.addi %mul3A_60, %add3A_111 : i32
      %dma_wait3A_113 = arith.constant 0 : i32
      %dma_wait3A_114 = tpu.memref_slice %arg5[%add3A_112, %dma_wait3A_113] : memref<128x128xi32, #tpu.memory_space<vmem>> -> memref<1x50xi32, #tpu.memory_space<vmem>>
      %dma_wait3A_115 = tpu.memref_squeeze %dma_wait3A_114 : memref<1x50xi32, #tpu.memory_space<vmem>> -> memref<50xi32, #tpu.memory_space<vmem>>
      %dma_wait3A_116 = arith.constant 0 : i32
      %dma_wait3A_117 = arith.constant 0 : i32
      %dma_wait3A_118 = tpu.memref_slice %arg2[%dma_wait3A_116, %dma_wait3A_117] : memref<100000x128xf32, #tpu.memory_space<hbm>> -> memref<100000x128xf32, #tpu.memory_space<hbm>>
      tpu.wait_indirect_dma semaphore(%arg16 : memref<!tpu.dma_semaphore, #tpu.memory_space<semaphore_mem>>) src(%dma_wait3A_118 : memref<100000x128xf32, #tpu.memory_space<hbm>>) dst(%arg8 : memref<50x128xf32, #tpu.memory_space<vmem>>)
      %add3A_119 = arith.addi %mul3A_2, %mul3A_60 : i32
      %add3A_120 = arith.constant 2 : i32
      %add3A_121 = arith.addi %add3A_119, %add3A_120 : i32
      "tpu.region"() ({
        %run_scoped3A = tpu.sem_alloc : memref<!tpu.dma_semaphore, #tpu.memory_space<semaphore_mem>>
        %dma_start3A_233 = arith.constant 0 : i32
        %dma_start3A_234 = arith.constant 0 : i32
        %dma_start3A_235 = tpu.memref_slice %arg4[%add3A_121, %dma_start3A_233, %dma_start3A_234] : memref<4096x50x128xf32, #tpu.memory_space<hbm>> -> memref<1x50x128xf32, #tpu.memory_space<hbm>>
        %dma_start3A_236 = tpu.memref_squeeze %dma_start3A_235 : memref<1x50x128xf32, #tpu.memory_space<hbm>> -> memref<50x128xf32, #tpu.memory_space<hbm>>
        %dma_start3A_237 = arith.constant 0 : i32
        %dma_start3A_238 = arith.constant 0 : i32
        %dma_start3A_239 = tpu.memref_slice %arg4[%add3A_121, %dma_start3A_237, %dma_start3A_238] : memref<4096x50x128xf32, #tpu.memory_space<hbm>> -> memref<1x50x128xf32, #tpu.memory_space<hbm>>
        %dma_start3A_240 = tpu.memref_squeeze %dma_start3A_239 : memref<1x50x128xf32, #tpu.memory_space<hbm>> -> memref<50x128xf32, #tpu.memory_space<hbm>>
        tpu.enqueue_dma source(%arg8 : memref<50x128xf32, #tpu.memory_space<vmem>>) target(%dma_start3A_240 : memref<50x128xf32, #tpu.memory_space<hbm>>) target_semaphore(%run_scoped3A : memref<!tpu.dma_semaphore, #tpu.memory_space<semaphore_mem>>)
        %dma_wait3A_241 = arith.constant 0 : i32
        %dma_wait3A_242 = arith.constant 0 : i32
        %dma_wait3A_243 = tpu.memref_slice %arg4[%add3A_121, %dma_wait3A_241, %dma_wait3A_242] : memref<4096x50x128xf32, #tpu.memory_space<hbm>> -> memref<1x50x128xf32, #tpu.memory_space<hbm>>
        %dma_wait3A_244 = tpu.memref_squeeze %dma_wait3A_243 : memref<1x50x128xf32, #tpu.memory_space<hbm>> -> memref<50x128xf32, #tpu.memory_space<hbm>>
        %dma_wait3A_245 = arith.constant 0 : i32
        %dma_wait3A_246 = arith.constant 0 : i32
        %dma_wait3A_247 = tpu.memref_slice %arg4[%add3A_121, %dma_wait3A_245, %dma_wait3A_246] : memref<4096x50x128xf32, #tpu.memory_space<hbm>> -> memref<1x50x128xf32, #tpu.memory_space<hbm>>
        %dma_wait3A_248 = tpu.memref_squeeze %dma_wait3A_247 : memref<1x50x128xf32, #tpu.memory_space<hbm>> -> memref<50x128xf32, #tpu.memory_space<hbm>>
        tpu.wait_dma2 semaphore(%run_scoped3A : memref<!tpu.dma_semaphore, #tpu.memory_space<semaphore_mem>>) src(%arg8 : memref<50x128xf32, #tpu.memory_space<vmem>>) dst(%dma_wait3A_248 : memref<50x128xf32, #tpu.memory_space<hbm>>)
        tpu.yield
      }) : () -> ()
      %add3A_122 = arith.constant 3 : i32
      %add3A_123 = arith.addi %mul3A_60, %add3A_122 : i32
      %add3A_124 = arith.constant 8 : i32
      %add3A_125 = arith.addi %add3A_123, %add3A_124 : i32
      %sub3A_126 = arith.constant 1 : i32
      %sub3A_127 = arith.subi %add3A_125, %sub3A_126 : i32
      %lt3A_128 = arith.constant 128 : i32
      %lt3A_129 = arith.cmpi slt, %sub3A_127, %lt3A_128 : i32
      %convert_element_type3A_130 = arith.extui %lt3A_129 : i1 to i32
      %cond3A_131 = arith.constant 0 : i32
      %cond3A_132 = arith.cmpi ne, %convert_element_type3A_130, %cond3A_131 : i32
      scf.if %cond3A_132 {
        %dma_start3A_233 = arith.constant 0 : i32
        %dma_start3A_234 = tpu.memref_slice %arg5[%sub3A_127, %dma_start3A_233] : memref<128x128xi32, #tpu.memory_space<vmem>> -> memref<1x50xi32, #tpu.memory_space<vmem>>
        %dma_start3A_235 = tpu.memref_squeeze %dma_start3A_234 : memref<1x50xi32, #tpu.memory_space<vmem>> -> memref<50xi32, #tpu.memory_space<vmem>>
        %dma_start3A_236 = arith.constant 0 : i32
        %dma_start3A_237 = arith.constant 0 : i32
        %dma_start3A_238 = tpu.memref_slice %arg2[%dma_start3A_236, %dma_start3A_237] : memref<100000x128xf32, #tpu.memory_space<hbm>> -> memref<100000x128xf32, #tpu.memory_space<hbm>>
        tpu.enqueue_indirect_dma source(%dma_start3A_238 : memref<100000x128xf32, #tpu.memory_space<hbm>>) target(%arg8 : memref<50x128xf32, #tpu.memory_space<vmem>>) offsets(%dma_start3A_235 : memref<50xi32, #tpu.memory_space<vmem>>) semaphore(%arg16 : memref<!tpu.dma_semaphore, #tpu.memory_space<semaphore_mem>>)
      } else {
      }
      %add3A_133 = arith.constant 3 : i32
      %add3A_134 = arith.addi %mul3A_60, %add3A_133 : i32
      %dma_wait3A_135 = arith.constant 0 : i32
      %dma_wait3A_136 = tpu.memref_slice %arg5[%add3A_134, %dma_wait3A_135] : memref<128x128xi32, #tpu.memory_space<vmem>> -> memref<1x50xi32, #tpu.memory_space<vmem>>
      %dma_wait3A_137 = tpu.memref_squeeze %dma_wait3A_136 : memref<1x50xi32, #tpu.memory_space<vmem>> -> memref<50xi32, #tpu.memory_space<vmem>>
      %dma_wait3A_138 = arith.constant 0 : i32
      %dma_wait3A_139 = arith.constant 0 : i32
      %dma_wait3A_140 = tpu.memref_slice %arg2[%dma_wait3A_138, %dma_wait3A_139] : memref<100000x128xf32, #tpu.memory_space<hbm>> -> memref<100000x128xf32, #tpu.memory_space<hbm>>
      tpu.wait_indirect_dma semaphore(%arg17 : memref<!tpu.dma_semaphore, #tpu.memory_space<semaphore_mem>>) src(%dma_wait3A_140 : memref<100000x128xf32, #tpu.memory_space<hbm>>) dst(%arg9 : memref<50x128xf32, #tpu.memory_space<vmem>>)
      %add3A_141 = arith.addi %mul3A_2, %mul3A_60 : i32
      %add3A_142 = arith.constant 3 : i32
      %add3A_143 = arith.addi %add3A_141, %add3A_142 : i32
      "tpu.region"() ({
        %run_scoped3A = tpu.sem_alloc : memref<!tpu.dma_semaphore, #tpu.memory_space<semaphore_mem>>
        %dma_start3A_233 = arith.constant 0 : i32
        %dma_start3A_234 = arith.constant 0 : i32
        %dma_start3A_235 = tpu.memref_slice %arg4[%add3A_143, %dma_start3A_233, %dma_start3A_234] : memref<4096x50x128xf32, #tpu.memory_space<hbm>> -> memref<1x50x128xf32, #tpu.memory_space<hbm>>
        %dma_start3A_236 = tpu.memref_squeeze %dma_start3A_235 : memref<1x50x128xf32, #tpu.memory_space<hbm>> -> memref<50x128xf32, #tpu.memory_space<hbm>>
        %dma_start3A_237 = arith.constant 0 : i32
        %dma_start3A_238 = arith.constant 0 : i32
        %dma_start3A_239 = tpu.memref_slice %arg4[%add3A_143, %dma_start3A_237, %dma_start3A_238] : memref<4096x50x128xf32, #tpu.memory_space<hbm>> -> memref<1x50x128xf32, #tpu.memory_space<hbm>>
        %dma_start3A_240 = tpu.memref_squeeze %dma_start3A_239 : memref<1x50x128xf32, #tpu.memory_space<hbm>> -> memref<50x128xf32, #tpu.memory_space<hbm>>
        tpu.enqueue_dma source(%arg9 : memref<50x128xf32, #tpu.memory_space<vmem>>) target(%dma_start3A_240 : memref<50x128xf32, #tpu.memory_space<hbm>>) target_semaphore(%run_scoped3A : memref<!tpu.dma_semaphore, #tpu.memory_space<semaphore_mem>>)
        %dma_wait3A_241 = arith.constant 0 : i32
        %dma_wait3A_242 = arith.constant 0 : i32
        %dma_wait3A_243 = tpu.memref_slice %arg4[%add3A_143, %dma_wait3A_241, %dma_wait3A_242] : memref<4096x50x128xf32, #tpu.memory_space<hbm>> -> memref<1x50x128xf32, #tpu.memory_space<hbm>>
        %dma_wait3A_244 = tpu.memref_squeeze %dma_wait3A_243 : memref<1x50x128xf32, #tpu.memory_space<hbm>> -> memref<50x128xf32, #tpu.memory_space<hbm>>
        %dma_wait3A_245 = arith.constant 0 : i32
        %dma_wait3A_246 = arith.constant 0 : i32
        %dma_wait3A_247 = tpu.memref_slice %arg4[%add3A_143, %dma_wait3A_245, %dma_wait3A_246] : memref<4096x50x128xf32, #tpu.memory_space<hbm>> -> memref<1x50x128xf32, #tpu.memory_space<hbm>>
        %dma_wait3A_248 = tpu.memref_squeeze %dma_wait3A_247 : memref<1x50x128xf32, #tpu.memory_space<hbm>> -> memref<50x128xf32, #tpu.memory_space<hbm>>
        tpu.wait_dma2 semaphore(%run_scoped3A : memref<!tpu.dma_semaphore, #tpu.memory_space<semaphore_mem>>) src(%arg9 : memref<50x128xf32, #tpu.memory_space<vmem>>) dst(%dma_wait3A_248 : memref<50x128xf32, #tpu.memory_space<hbm>>)
        tpu.yield
      }) : () -> ()
      %add3A_144 = arith.constant 4 : i32
      %add3A_145 = arith.addi %mul3A_60, %add3A_144 : i32
      %add3A_146 = arith.constant 8 : i32
      %add3A_147 = arith.addi %add3A_145, %add3A_146 : i32
      %sub3A_148 = arith.constant 1 : i32
      %sub3A_149 = arith.subi %add3A_147, %sub3A_148 : i32
      %lt3A_150 = arith.constant 128 : i32
      %lt3A_151 = arith.cmpi slt, %sub3A_149, %lt3A_150 : i32
      %convert_element_type3A_152 = arith.extui %lt3A_151 : i1 to i32
      %cond3A_153 = arith.constant 0 : i32
      %cond3A_154 = arith.cmpi ne, %convert_element_type3A_152, %cond3A_153 : i32
      scf.if %cond3A_154 {
        %dma_start3A_233 = arith.constant 0 : i32
        %dma_start3A_234 = tpu.memref_slice %arg5[%sub3A_149, %dma_start3A_233] : memref<128x128xi32, #tpu.memory_space<vmem>> -> memref<1x50xi32, #tpu.memory_space<vmem>>
        %dma_start3A_235 = tpu.memref_squeeze %dma_start3A_234 : memref<1x50xi32, #tpu.memory_space<vmem>> -> memref<50xi32, #tpu.memory_space<vmem>>
        %dma_start3A_236 = arith.constant 0 : i32
        %dma_start3A_237 = arith.constant 0 : i32
        %dma_start3A_238 = tpu.memref_slice %arg2[%dma_start3A_236, %dma_start3A_237] : memref<100000x128xf32, #tpu.memory_space<hbm>> -> memref<100000x128xf32, #tpu.memory_space<hbm>>
        tpu.enqueue_indirect_dma source(%dma_start3A_238 : memref<100000x128xf32, #tpu.memory_space<hbm>>) target(%arg9 : memref<50x128xf32, #tpu.memory_space<vmem>>) offsets(%dma_start3A_235 : memref<50xi32, #tpu.memory_space<vmem>>) semaphore(%arg17 : memref<!tpu.dma_semaphore, #tpu.memory_space<semaphore_mem>>)
      } else {
      }
      %add3A_155 = arith.constant 4 : i32
      %add3A_156 = arith.addi %mul3A_60, %add3A_155 : i32
      %dma_wait3A_157 = arith.constant 0 : i32
      %dma_wait3A_158 = tpu.memref_slice %arg5[%add3A_156, %dma_wait3A_157] : memref<128x128xi32, #tpu.memory_space<vmem>> -> memref<1x50xi32, #tpu.memory_space<vmem>>
      %dma_wait3A_159 = tpu.memref_squeeze %dma_wait3A_158 : memref<1x50xi32, #tpu.memory_space<vmem>> -> memref<50xi32, #tpu.memory_space<vmem>>
      %dma_wait3A_160 = arith.constant 0 : i32
      %dma_wait3A_161 = arith.constant 0 : i32
      %dma_wait3A_162 = tpu.memref_slice %arg2[%dma_wait3A_160, %dma_wait3A_161] : memref<100000x128xf32, #tpu.memory_space<hbm>> -> memref<100000x128xf32, #tpu.memory_space<hbm>>
      tpu.wait_indirect_dma semaphore(%arg18 : memref<!tpu.dma_semaphore, #tpu.memory_space<semaphore_mem>>) src(%dma_wait3A_162 : memref<100000x128xf32, #tpu.memory_space<hbm>>) dst(%arg10 : memref<50x128xf32, #tpu.memory_space<vmem>>)
      %add3A_163 = arith.addi %mul3A_2, %mul3A_60 : i32
      %add3A_164 = arith.constant 4 : i32
      %add3A_165 = arith.addi %add3A_163, %add3A_164 : i32
      "tpu.region"() ({
        %run_scoped3A = tpu.sem_alloc : memref<!tpu.dma_semaphore, #tpu.memory_space<semaphore_mem>>
        %dma_start3A_233 = arith.constant 0 : i32
        %dma_start3A_234 = arith.constant 0 : i32
        %dma_start3A_235 = tpu.memref_slice %arg4[%add3A_165, %dma_start3A_233, %dma_start3A_234] : memref<4096x50x128xf32, #tpu.memory_space<hbm>> -> memref<1x50x128xf32, #tpu.memory_space<hbm>>
        %dma_start3A_236 = tpu.memref_squeeze %dma_start3A_235 : memref<1x50x128xf32, #tpu.memory_space<hbm>> -> memref<50x128xf32, #tpu.memory_space<hbm>>
        %dma_start3A_237 = arith.constant 0 : i32
        %dma_start3A_238 = arith.constant 0 : i32
        %dma_start3A_239 = tpu.memref_slice %arg4[%add3A_165, %dma_start3A_237, %dma_start3A_238] : memref<4096x50x128xf32, #tpu.memory_space<hbm>> -> memref<1x50x128xf32, #tpu.memory_space<hbm>>
        %dma_start3A_240 = tpu.memref_squeeze %dma_start3A_239 : memref<1x50x128xf32, #tpu.memory_space<hbm>> -> memref<50x128xf32, #tpu.memory_space<hbm>>
        tpu.enqueue_dma source(%arg10 : memref<50x128xf32, #tpu.memory_space<vmem>>) target(%dma_start3A_240 : memref<50x128xf32, #tpu.memory_space<hbm>>) target_semaphore(%run_scoped3A : memref<!tpu.dma_semaphore, #tpu.memory_space<semaphore_mem>>)
        %dma_wait3A_241 = arith.constant 0 : i32
        %dma_wait3A_242 = arith.constant 0 : i32
        %dma_wait3A_243 = tpu.memref_slice %arg4[%add3A_165, %dma_wait3A_241, %dma_wait3A_242] : memref<4096x50x128xf32, #tpu.memory_space<hbm>> -> memref<1x50x128xf32, #tpu.memory_space<hbm>>
        %dma_wait3A_244 = tpu.memref_squeeze %dma_wait3A_243 : memref<1x50x128xf32, #tpu.memory_space<hbm>> -> memref<50x128xf32, #tpu.memory_space<hbm>>
        %dma_wait3A_245 = arith.constant 0 : i32
        %dma_wait3A_246 = arith.constant 0 : i32
        %dma_wait3A_247 = tpu.memref_slice %arg4[%add3A_165, %dma_wait3A_245, %dma_wait3A_246] : memref<4096x50x128xf32, #tpu.memory_space<hbm>> -> memref<1x50x128xf32, #tpu.memory_space<hbm>>
        %dma_wait3A_248 = tpu.memref_squeeze %dma_wait3A_247 : memref<1x50x128xf32, #tpu.memory_space<hbm>> -> memref<50x128xf32, #tpu.memory_space<hbm>>
        tpu.wait_dma2 semaphore(%run_scoped3A : memref<!tpu.dma_semaphore, #tpu.memory_space<semaphore_mem>>) src(%arg10 : memref<50x128xf32, #tpu.memory_space<vmem>>) dst(%dma_wait3A_248 : memref<50x128xf32, #tpu.memory_space<hbm>>)
        tpu.yield
      }) : () -> ()
      %add3A_166 = arith.constant 5 : i32
      %add3A_167 = arith.addi %mul3A_60, %add3A_166 : i32
      %add3A_168 = arith.constant 8 : i32
      %add3A_169 = arith.addi %add3A_167, %add3A_168 : i32
      %sub3A_170 = arith.constant 1 : i32
      %sub3A_171 = arith.subi %add3A_169, %sub3A_170 : i32
      %lt3A_172 = arith.constant 128 : i32
      %lt3A_173 = arith.cmpi slt, %sub3A_171, %lt3A_172 : i32
      %convert_element_type3A_174 = arith.extui %lt3A_173 : i1 to i32
      %cond3A_175 = arith.constant 0 : i32
      %cond3A_176 = arith.cmpi ne, %convert_element_type3A_174, %cond3A_175 : i32
      scf.if %cond3A_176 {
        %dma_start3A_233 = arith.constant 0 : i32
        %dma_start3A_234 = tpu.memref_slice %arg5[%sub3A_171, %dma_start3A_233] : memref<128x128xi32, #tpu.memory_space<vmem>> -> memref<1x50xi32, #tpu.memory_space<vmem>>
        %dma_start3A_235 = tpu.memref_squeeze %dma_start3A_234 : memref<1x50xi32, #tpu.memory_space<vmem>> -> memref<50xi32, #tpu.memory_space<vmem>>
        %dma_start3A_236 = arith.constant 0 : i32
        %dma_start3A_237 = arith.constant 0 : i32
        %dma_start3A_238 = tpu.memref_slice %arg2[%dma_start3A_236, %dma_start3A_237] : memref<100000x128xf32, #tpu.memory_space<hbm>> -> memref<100000x128xf32, #tpu.memory_space<hbm>>
        tpu.enqueue_indirect_dma source(%dma_start3A_238 : memref<100000x128xf32, #tpu.memory_space<hbm>>) target(%arg10 : memref<50x128xf32, #tpu.memory_space<vmem>>) offsets(%dma_start3A_235 : memref<50xi32, #tpu.memory_space<vmem>>) semaphore(%arg18 : memref<!tpu.dma_semaphore, #tpu.memory_space<semaphore_mem>>)
      } else {
      }
      %add3A_177 = arith.constant 5 : i32
      %add3A_178 = arith.addi %mul3A_60, %add3A_177 : i32
      %dma_wait3A_179 = arith.constant 0 : i32
      %dma_wait3A_180 = tpu.memref_slice %arg5[%add3A_178, %dma_wait3A_179] : memref<128x128xi32, #tpu.memory_space<vmem>> -> memref<1x50xi32, #tpu.memory_space<vmem>>
      %dma_wait3A_181 = tpu.memref_squeeze %dma_wait3A_180 : memref<1x50xi32, #tpu.memory_space<vmem>> -> memref<50xi32, #tpu.memory_space<vmem>>
      %dma_wait3A_182 = arith.constant 0 : i32
      %dma_wait3A_183 = arith.constant 0 : i32
      %dma_wait3A_184 = tpu.memref_slice %arg2[%dma_wait3A_182, %dma_wait3A_183] : memref<100000x128xf32, #tpu.memory_space<hbm>> -> memref<100000x128xf32, #tpu.memory_space<hbm>>
      tpu.wait_indirect_dma semaphore(%arg19 : memref<!tpu.dma_semaphore, #tpu.memory_space<semaphore_mem>>) src(%dma_wait3A_184 : memref<100000x128xf32, #tpu.memory_space<hbm>>) dst(%arg11 : memref<50x128xf32, #tpu.memory_space<vmem>>)
      %add3A_185 = arith.addi %mul3A_2, %mul3A_60 : i32
      %add3A_186 = arith.constant 5 : i32
      %add3A_187 = arith.addi %add3A_185, %add3A_186 : i32
      "tpu.region"() ({
        %run_scoped3A = tpu.sem_alloc : memref<!tpu.dma_semaphore, #tpu.memory_space<semaphore_mem>>
        %dma_start3A_233 = arith.constant 0 : i32
        %dma_start3A_234 = arith.constant 0 : i32
        %dma_start3A_235 = tpu.memref_slice %arg4[%add3A_187, %dma_start3A_233, %dma_start3A_234] : memref<4096x50x128xf32, #tpu.memory_space<hbm>> -> memref<1x50x128xf32, #tpu.memory_space<hbm>>
        %dma_start3A_236 = tpu.memref_squeeze %dma_start3A_235 : memref<1x50x128xf32, #tpu.memory_space<hbm>> -> memref<50x128xf32, #tpu.memory_space<hbm>>
        %dma_start3A_237 = arith.constant 0 : i32
        %dma_start3A_238 = arith.constant 0 : i32
        %dma_start3A_239 = tpu.memref_slice %arg4[%add3A_187, %dma_start3A_237, %dma_start3A_238] : memref<4096x50x128xf32, #tpu.memory_space<hbm>> -> memref<1x50x128xf32, #tpu.memory_space<hbm>>
        %dma_start3A_240 = tpu.memref_squeeze %dma_start3A_239 : memref<1x50x128xf32, #tpu.memory_space<hbm>> -> memref<50x128xf32, #tpu.memory_space<hbm>>
        tpu.enqueue_dma source(%arg11 : memref<50x128xf32, #tpu.memory_space<vmem>>) target(%dma_start3A_240 : memref<50x128xf32, #tpu.memory_space<hbm>>) target_semaphore(%run_scoped3A : memref<!tpu.dma_semaphore, #tpu.memory_space<semaphore_mem>>)
        %dma_wait3A_241 = arith.constant 0 : i32
        %dma_wait3A_242 = arith.constant 0 : i32
        %dma_wait3A_243 = tpu.memref_slice %arg4[%add3A_187, %dma_wait3A_241, %dma_wait3A_242] : memref<4096x50x128xf32, #tpu.memory_space<hbm>> -> memref<1x50x128xf32, #tpu.memory_space<hbm>>
        %dma_wait3A_244 = tpu.memref_squeeze %dma_wait3A_243 : memref<1x50x128xf32, #tpu.memory_space<hbm>> -> memref<50x128xf32, #tpu.memory_space<hbm>>
        %dma_wait3A_245 = arith.constant 0 : i32
        %dma_wait3A_246 = arith.constant 0 : i32
        %dma_wait3A_247 = tpu.memref_slice %arg4[%add3A_187, %dma_wait3A_245, %dma_wait3A_246] : memref<4096x50x128xf32, #tpu.memory_space<hbm>> -> memref<1x50x128xf32, #tpu.memory_space<hbm>>
        %dma_wait3A_248 = tpu.memref_squeeze %dma_wait3A_247 : memref<1x50x128xf32, #tpu.memory_space<hbm>> -> memref<50x128xf32, #tpu.memory_space<hbm>>
        tpu.wait_dma2 semaphore(%run_scoped3A : memref<!tpu.dma_semaphore, #tpu.memory_space<semaphore_mem>>) src(%arg11 : memref<50x128xf32, #tpu.memory_space<vmem>>) dst(%dma_wait3A_248 : memref<50x128xf32, #tpu.memory_space<hbm>>)
        tpu.yield
      }) : () -> ()
      %add3A_188 = arith.constant 6 : i32
      %add3A_189 = arith.addi %mul3A_60, %add3A_188 : i32
      %add3A_190 = arith.constant 8 : i32
      %add3A_191 = arith.addi %add3A_189, %add3A_190 : i32
      %sub3A_192 = arith.constant 1 : i32
      %sub3A_193 = arith.subi %add3A_191, %sub3A_192 : i32
      %lt3A_194 = arith.constant 128 : i32
      %lt3A_195 = arith.cmpi slt, %sub3A_193, %lt3A_194 : i32
      %convert_element_type3A_196 = arith.extui %lt3A_195 : i1 to i32
      %cond3A_197 = arith.constant 0 : i32
      %cond3A_198 = arith.cmpi ne, %convert_element_type3A_196, %cond3A_197 : i32
      scf.if %cond3A_198 {
        %dma_start3A_233 = arith.constant 0 : i32
        %dma_start3A_234 = tpu.memref_slice %arg5[%sub3A_193, %dma_start3A_233] : memref<128x128xi32, #tpu.memory_space<vmem>> -> memref<1x50xi32, #tpu.memory_space<vmem>>
        %dma_start3A_235 = tpu.memref_squeeze %dma_start3A_234 : memref<1x50xi32, #tpu.memory_space<vmem>> -> memref<50xi32, #tpu.memory_space<vmem>>
        %dma_start3A_236 = arith.constant 0 : i32
        %dma_start3A_237 = arith.constant 0 : i32
        %dma_start3A_238 = tpu.memref_slice %arg2[%dma_start3A_236, %dma_start3A_237] : memref<100000x128xf32, #tpu.memory_space<hbm>> -> memref<100000x128xf32, #tpu.memory_space<hbm>>
        tpu.enqueue_indirect_dma source(%dma_start3A_238 : memref<100000x128xf32, #tpu.memory_space<hbm>>) target(%arg11 : memref<50x128xf32, #tpu.memory_space<vmem>>) offsets(%dma_start3A_235 : memref<50xi32, #tpu.memory_space<vmem>>) semaphore(%arg19 : memref<!tpu.dma_semaphore, #tpu.memory_space<semaphore_mem>>)
      } else {
      }
      %add3A_199 = arith.constant 6 : i32
      %add3A_200 = arith.addi %mul3A_60, %add3A_199 : i32
      %dma_wait3A_201 = arith.constant 0 : i32
      %dma_wait3A_202 = tpu.memref_slice %arg5[%add3A_200, %dma_wait3A_201] : memref<128x128xi32, #tpu.memory_space<vmem>> -> memref<1x50xi32, #tpu.memory_space<vmem>>
      %dma_wait3A_203 = tpu.memref_squeeze %dma_wait3A_202 : memref<1x50xi32, #tpu.memory_space<vmem>> -> memref<50xi32, #tpu.memory_space<vmem>>
      %dma_wait3A_204 = arith.constant 0 : i32
      %dma_wait3A_205 = arith.constant 0 : i32
      %dma_wait3A_206 = tpu.memref_slice %arg2[%dma_wait3A_204, %dma_wait3A_205] : memref<100000x128xf32, #tpu.memory_space<hbm>> -> memref<100000x128xf32, #tpu.memory_space<hbm>>
      tpu.wait_indirect_dma semaphore(%arg20 : memref<!tpu.dma_semaphore, #tpu.memory_space<semaphore_mem>>) src(%dma_wait3A_206 : memref<100000x128xf32, #tpu.memory_space<hbm>>) dst(%arg12 : memref<50x128xf32, #tpu.memory_space<vmem>>)
      %add3A_207 = arith.addi %mul3A_2, %mul3A_60 : i32
      %add3A_208 = arith.constant 6 : i32
      %add3A_209 = arith.addi %add3A_207, %add3A_208 : i32
      "tpu.region"() ({
        %run_scoped3A = tpu.sem_alloc : memref<!tpu.dma_semaphore, #tpu.memory_space<semaphore_mem>>
        %dma_start3A_233 = arith.constant 0 : i32
        %dma_start3A_234 = arith.constant 0 : i32
        %dma_start3A_235 = tpu.memref_slice %arg4[%add3A_209, %dma_start3A_233, %dma_start3A_234] : memref<4096x50x128xf32, #tpu.memory_space<hbm>> -> memref<1x50x128xf32, #tpu.memory_space<hbm>>
        %dma_start3A_236 = tpu.memref_squeeze %dma_start3A_235 : memref<1x50x128xf32, #tpu.memory_space<hbm>> -> memref<50x128xf32, #tpu.memory_space<hbm>>
        %dma_start3A_237 = arith.constant 0 : i32
        %dma_start3A_238 = arith.constant 0 : i32
        %dma_start3A_239 = tpu.memref_slice %arg4[%add3A_209, %dma_start3A_237, %dma_start3A_238] : memref<4096x50x128xf32, #tpu.memory_space<hbm>> -> memref<1x50x128xf32, #tpu.memory_space<hbm>>
        %dma_start3A_240 = tpu.memref_squeeze %dma_start3A_239 : memref<1x50x128xf32, #tpu.memory_space<hbm>> -> memref<50x128xf32, #tpu.memory_space<hbm>>
        tpu.enqueue_dma source(%arg12 : memref<50x128xf32, #tpu.memory_space<vmem>>) target(%dma_start3A_240 : memref<50x128xf32, #tpu.memory_space<hbm>>) target_semaphore(%run_scoped3A : memref<!tpu.dma_semaphore, #tpu.memory_space<semaphore_mem>>)
        %dma_wait3A_241 = arith.constant 0 : i32
        %dma_wait3A_242 = arith.constant 0 : i32
        %dma_wait3A_243 = tpu.memref_slice %arg4[%add3A_209, %dma_wait3A_241, %dma_wait3A_242] : memref<4096x50x128xf32, #tpu.memory_space<hbm>> -> memref<1x50x128xf32, #tpu.memory_space<hbm>>
        %dma_wait3A_244 = tpu.memref_squeeze %dma_wait3A_243 : memref<1x50x128xf32, #tpu.memory_space<hbm>> -> memref<50x128xf32, #tpu.memory_space<hbm>>
        %dma_wait3A_245 = arith.constant 0 : i32
        %dma_wait3A_246 = arith.constant 0 : i32
        %dma_wait3A_247 = tpu.memref_slice %arg4[%add3A_209, %dma_wait3A_245, %dma_wait3A_246] : memref<4096x50x128xf32, #tpu.memory_space<hbm>> -> memref<1x50x128xf32, #tpu.memory_space<hbm>>
        %dma_wait3A_248 = tpu.memref_squeeze %dma_wait3A_247 : memref<1x50x128xf32, #tpu.memory_space<hbm>> -> memref<50x128xf32, #tpu.memory_space<hbm>>
        tpu.wait_dma2 semaphore(%run_scoped3A : memref<!tpu.dma_semaphore, #tpu.memory_space<semaphore_mem>>) src(%arg12 : memref<50x128xf32, #tpu.memory_space<vmem>>) dst(%dma_wait3A_248 : memref<50x128xf32, #tpu.memory_space<hbm>>)
        tpu.yield
      }) : () -> ()
      %add3A_210 = arith.constant 7 : i32
      %add3A_211 = arith.addi %mul3A_60, %add3A_210 : i32
      %add3A_212 = arith.constant 8 : i32
      %add3A_213 = arith.addi %add3A_211, %add3A_212 : i32
      %sub3A_214 = arith.constant 1 : i32
      %sub3A_215 = arith.subi %add3A_213, %sub3A_214 : i32
      %lt3A_216 = arith.constant 128 : i32
      %lt3A_217 = arith.cmpi slt, %sub3A_215, %lt3A_216 : i32
      %convert_element_type3A_218 = arith.extui %lt3A_217 : i1 to i32
      %cond3A_219 = arith.constant 0 : i32
      %cond3A_220 = arith.cmpi ne, %convert_element_type3A_218, %cond3A_219 : i32
      scf.if %cond3A_220 {
        %dma_start3A_233 = arith.constant 0 : i32
        %dma_start3A_234 = tpu.memref_slice %arg5[%sub3A_215, %dma_start3A_233] : memref<128x128xi32, #tpu.memory_space<vmem>> -> memref<1x50xi32, #tpu.memory_space<vmem>>
        %dma_start3A_235 = tpu.memref_squeeze %dma_start3A_234 : memref<1x50xi32, #tpu.memory_space<vmem>> -> memref<50xi32, #tpu.memory_space<vmem>>
        %dma_start3A_236 = arith.constant 0 : i32
        %dma_start3A_237 = arith.constant 0 : i32
        %dma_start3A_238 = tpu.memref_slice %arg2[%dma_start3A_236, %dma_start3A_237] : memref<100000x128xf32, #tpu.memory_space<hbm>> -> memref<100000x128xf32, #tpu.memory_space<hbm>>
        tpu.enqueue_indirect_dma source(%dma_start3A_238 : memref<100000x128xf32, #tpu.memory_space<hbm>>) target(%arg12 : memref<50x128xf32, #tpu.memory_space<vmem>>) offsets(%dma_start3A_235 : memref<50xi32, #tpu.memory_space<vmem>>) semaphore(%arg20 : memref<!tpu.dma_semaphore, #tpu.memory_space<semaphore_mem>>)
      } else {
      }
      %add3A_221 = arith.constant 7 : i32
      %add3A_222 = arith.addi %mul3A_60, %add3A_221 : i32
      %dma_wait3A_223 = arith.constant 0 : i32
      %dma_wait3A_224 = tpu.memref_slice %arg5[%add3A_222, %dma_wait3A_223] : memref<128x128xi32, #tpu.memory_space<vmem>> -> memref<1x50xi32, #tpu.memory_space<vmem>>
      %dma_wait3A_225 = tpu.memref_squeeze %dma_wait3A_224 : memref<1x50xi32, #tpu.memory_space<vmem>> -> memref<50xi32, #tpu.memory_space<vmem>>
      %dma_wait3A_226 = arith.constant 0 : i32
      %dma_wait3A_227 = arith.constant 0 : i32
      %dma_wait3A_228 = tpu.memref_slice %arg2[%dma_wait3A_226, %dma_wait3A_227] : memref<100000x128xf32, #tpu.memory_space<hbm>> -> memref<100000x128xf32, #tpu.memory_space<hbm>>
      tpu.wait_indirect_dma semaphore(%arg21 : memref<!tpu.dma_semaphore, #tpu.memory_space<semaphore_mem>>) src(%dma_wait3A_228 : memref<100000x128xf32, #tpu.memory_space<hbm>>) dst(%arg13 : memref<50x128xf32, #tpu.memory_space<vmem>>)
      %add3A_229 = arith.addi %mul3A_2, %mul3A_60 : i32
      %add3A_230 = arith.constant 7 : i32
      %add3A_231 = arith.addi %add3A_229, %add3A_230 : i32
      "tpu.region"() ({
        %run_scoped3A = tpu.sem_alloc : memref<!tpu.dma_semaphore, #tpu.memory_space<semaphore_mem>>
        %dma_start3A_233 = arith.constant 0 : i32
        %dma_start3A_234 = arith.constant 0 : i32
        %dma_start3A_235 = tpu.memref_slice %arg4[%add3A_231, %dma_start3A_233, %dma_start3A_234] : memref<4096x50x128xf32, #tpu.memory_space<hbm>> -> memref<1x50x128xf32, #tpu.memory_space<hbm>>
        %dma_start3A_236 = tpu.memref_squeeze %dma_start3A_235 : memref<1x50x128xf32, #tpu.memory_space<hbm>> -> memref<50x128xf32, #tpu.memory_space<hbm>>
        %dma_start3A_237 = arith.constant 0 : i32
        %dma_start3A_238 = arith.constant 0 : i32
        %dma_start3A_239 = tpu.memref_slice %arg4[%add3A_231, %dma_start3A_237, %dma_start3A_238] : memref<4096x50x128xf32, #tpu.memory_space<hbm>> -> memref<1x50x128xf32, #tpu.memory_space<hbm>>
        %dma_start3A_240 = tpu.memref_squeeze %dma_start3A_239 : memref<1x50x128xf32, #tpu.memory_space<hbm>> -> memref<50x128xf32, #tpu.memory_space<hbm>>
        tpu.enqueue_dma source(%arg13 : memref<50x128xf32, #tpu.memory_space<vmem>>) target(%dma_start3A_240 : memref<50x128xf32, #tpu.memory_space<hbm>>) target_semaphore(%run_scoped3A : memref<!tpu.dma_semaphore, #tpu.memory_space<semaphore_mem>>)
        %dma_wait3A_241 = arith.constant 0 : i32
        %dma_wait3A_242 = arith.constant 0 : i32
        %dma_wait3A_243 = tpu.memref_slice %arg4[%add3A_231, %dma_wait3A_241, %dma_wait3A_242] : memref<4096x50x128xf32, #tpu.memory_space<hbm>> -> memref<1x50x128xf32, #tpu.memory_space<hbm>>
        %dma_wait3A_244 = tpu.memref_squeeze %dma_wait3A_243 : memref<1x50x128xf32, #tpu.memory_space<hbm>> -> memref<50x128xf32, #tpu.memory_space<hbm>>
        %dma_wait3A_245 = arith.constant 0 : i32
        %dma_wait3A_246 = arith.constant 0 : i32
        %dma_wait3A_247 = tpu.memref_slice %arg4[%add3A_231, %dma_wait3A_245, %dma_wait3A_246] : memref<4096x50x128xf32, #tpu.memory_space<hbm>> -> memref<1x50x128xf32, #tpu.memory_space<hbm>>
        %dma_wait3A_248 = tpu.memref_squeeze %dma_wait3A_247 : memref<1x50x128xf32, #tpu.memory_space<hbm>> -> memref<50x128xf32, #tpu.memory_space<hbm>>
        tpu.wait_dma2 semaphore(%run_scoped3A : memref<!tpu.dma_semaphore, #tpu.memory_space<semaphore_mem>>) src(%arg13 : memref<50x128xf32, #tpu.memory_space<vmem>>) dst(%dma_wait3A_248 : memref<50x128xf32, #tpu.memory_space<hbm>>)
        tpu.yield
      }) : () -> ()
      %scan3A_232 = arith.constant 0 : i32
      scf.yield %scan3A_232 : i32
    }
    %scan3A_56 = arith.constant 16 : i32
    return
  }
}

module attributes {stable_mosaic.version = 14 : i64} {
  func.func @_proj_body(%arg0: i32, %arg1: memref<64x12800xf32, #tpu.memory_space<vmem>>, %arg2: memref<64x128xf32, #tpu.memory_space<vmem>>, %arg3: memref<1x128xf32, #tpu.memory_space<vmem>>, %arg4: memref<12800x128xf32, #tpu.memory_space<vmem>>) attributes {dimension_semantics = [#tpu.dimension_semantics<arbitrary>], iteration_bounds = array<i64: 8>, scalar_prefetch = 0 : i64, scratch_operands = 0 : i64, tpu.core_type = #tpu.core_type<tc>, window_params = [{transform_indices = @transform_0, window_bounds = array<i64: 64, 12800>}, {pipeline_mode = #tpu.pipeline_mode<synchronous>, transform_indices = @transform_1, window_bounds = array<i64: 64, 128>}, {pipeline_mode = #tpu.pipeline_mode<synchronous>, transform_indices = @transform_2, window_bounds = array<i64: 1, 128>}, {transform_indices = @transform_3, window_bounds = array<i64: 12800, 128>}]} {
    %get3A = arith.constant 0 : index
    %get3A_0 = arith.constant 0 : index
    %get3A_1 = vector.load %arg1[%get3A, %get3A_0] : memref<64x12800xf32, #tpu.memory_space<vmem>>, vector<64x12800xf32>
    %get3A_2 = arith.constant 0 : index
    %get3A_3 = arith.constant 0 : index
    %get3A_4 = vector.load %arg2[%get3A_2, %get3A_3] : memref<64x128xf32, #tpu.memory_space<vmem>>, vector<64x128xf32>
    %dot_general3A = arith.constant dense<0.000000e+00> : vector<12800x128xf32>
    %dot_general3A_5 = tpu.matmul %get3A_1, %get3A_4, %dot_general3A {dimension_numbers = #tpu.dot_dimension_numbers<[0], [0], [1], [1], [0, 1, 1, 1], [], []>, transpose_lhs_hint = false} : vector<64x12800xf32>, vector<64x128xf32>, vector<12800x128xf32> -> vector<12800x128xf32>
    %get3A_6 = arith.constant 0 : index
    %get3A_7 = arith.constant 0 : index
    %get3A_8 = vector.load %arg3[%get3A_6, %get3A_7] : memref<1x128xf32, #tpu.memory_space<vmem>>, vector<1x128xf32>
    %add3A = vector.broadcast %get3A_8 : vector<1x128xf32> to vector<12800x128xf32>
    %add3A_9 = arith.addf %dot_general3A_5, %add3A : vector<12800x128xf32>
    %swap3A = arith.constant 0 : index
    %swap3A_10 = arith.constant 0 : index
    %swap3A_11 = vector.load %arg4[%swap3A, %swap3A_10] : memref<12800x128xf32, #tpu.memory_space<vmem>>, vector<12800x128xf32>
    tpu.vector_store %arg4[%swap3A, %swap3A_10], %add3A_9 {strides = array<i32>} : memref<12800x128xf32, #tpu.memory_space<vmem>>, vector<12800x128xf32>,
    return
  }
  func.func @transform_0(%arg0: i32) -> (i32, i32) {
    %c0_i32 = arith.constant 0 : i32
    %c0_i32_0 = arith.constant 0 : i32
    return %c0_i32, %arg0 : i32, i32
  }
  func.func @transform_1(%arg0: i32) -> (i32, i32) {
    %c0_i32 = arith.constant 0 : i32
    %c0_i32_0 = arith.constant 0 : i32
    %c0_i32_1 = arith.constant 0 : i32
    return %c0_i32, %c0_i32_0 : i32, i32
  }
  func.func @transform_2(%arg0: i32) -> (i32, i32) {
    %c0_i32 = arith.constant 0 : i32
    %c0_i32_0 = arith.constant 0 : i32
    %c0_i32_1 = arith.constant 0 : i32
    return %c0_i32, %c0_i32_0 : i32, i32
  }
  func.func @transform_3(%arg0: i32) -> (i32, i32) {
    %c0_i32 = arith.constant 0 : i32
    %c0_i32_0 = arith.constant 0 : i32
    return %arg0, %c0_i32 : i32, i32
  }
}

</mosaic_0001>

<sc_bundles>
// kernel: kernel.4.cloned.1.call-start
scs
__scs_entry_jumppad:
0x0: {  	(pc) =	sbr.rel $0x88, $3  }
0x1: {  	(tag) =	ssettag $0x0;
	lr =	simm.s32 $0x1  }
0x2: {  	[smem:$0x3F9D] =	sst lr;
	_ =	strace $0xD0000000  }
0x3: {  	_ = 	snop  }
0x4: {  	_ = 	snop  }
0x5: {  	_ = 	snop  }
0x6: {  	_ = 	snop  }
0x7: {  	_ = 	snop  }
__scs_overlays_trampoline_lowered:
0x8: {  	[smem:$0x3FAC] =	sst s0  }
0x9: {  	[smem:$0x3FAD] =	sst s1  }
0xa: {  	[smem:$0x3FAE] =	sst s2  }
0xb: {  	[smem:$0x3FAF] =	sst s3  }
0xc: {  	[smem:$0x3FB0] =	sst s4  }
0xd: {  	[smem:$0x3FB1] =	sst s5  }
0xe: {  	[smem:$0x3FB2] =	sst s6  }
0xf: {  	[smem:$0x3FB3] =	sst s7  }
0x10: {  	[smem:$0x3FB4] =	sst s8  }
0x11: {  	[smem:$0x3FB5] =	sst s9;
	s0 =	simm.s32 @!p0 $0x0  }
0x12: {  	s1 =	sld [smem:$0x3F9B];
	s0 =	simm.s32 @p0 $0x1  }
0x13: {  	[smem:$0x3FB6] =	sst s0;
	s0 =	simm.s32 @!p1 $0x0  }
0x14: {  	s2 =	sld [smem:$0x3F9A];
	s0 =	simm.s32 @p1 $0x1  }
0x15: {  	[smem:$0x3FB7] =	sst s0;
	s0 =	simm.s32 @!p2 $0x0  }
0x16: {  	s3 =	sld [smem:$0x3FDB];
	s0 =	simm.s32 @p2 $0x1  }
0x17: {  	s4 =	simm.s32 $0x1BF5;
	[smem:$0x3FB9] =	sst s0  }
0x18: {  	s0 =	sld [smem:$0x3F9C];
	_ =	swait.ge [sflag:s4], $0x0  }
0x19: {  	s7 =	sld [smem:$0x3F9D]  }
0x1a: {  	s8 =	sadd.s32 $0xFFFFE003, lr  }
0x1b: {  	s9 =	sadd.s32 $0xFFFFFEF7, lr;
	s5 =	simm.s32 $0xFFFFFFFF;
	p2 =	slt.u32 s8, $0xFFFFF086  }
0x1c: {  	p1 =	slt.u32 s9, $0xF7A;
	s5 =	simm.s32 @!p2 $0x0  }
0x1d: {  	s5 =	simm.s32 @p1 $0x1;
	p0 =	seq.s32 s7, s2  }
0x1e: {  	s7 =	smul.u32 @!p0 $0xF7A, s2;
	p2 =	seq.s32 @!p0 s5, $0x0  }
0x1f: {  	s9 =	smul.u32 $0xF7A, s1;
	s8 =	simm.s32 @!p0 $0x1BF5;
	p2 =	por !p2, p0  }
0x20: {  	[sflag:s8] =	ssyncset.s32 @!p0 $0xFFFFF086;
	s6 =	sadd.s32 @!p0 s3, s7;
	s7 =	simm.s32 @!p0 $0x108  }
0x21: {  	s3 =	sadd.s32 s3, s9;
	s6 =	sadd.s32 @!p0 $0x88, s6;
	s7 =	simm.s32 @p2 $0x1082  }
0x22: {  	[simem:s7], [sflag:s8] =	dma.local @!p0 [hbm:s6], $0xF7A  }
0x23: {  	s9 =	sor.u32 $0xD0000000, s2;
	s6 =	simm.s32 $0x108;
	_ =	swait.ge @!p0 [sflag:s8], $0x0  }
0x24: {  	s3 =	sadd.s32 $0x88, s3;
	s6 =	simm.s32 @!p1 $0x1082;
	[sflag:s4] =	ssyncset.s32 $0xFFFFF086  }
0x25: {  	[simem:s6], [sflag:s4] =	dma.local [hbm:s3], $0xF7A  }
0x26: {  	[smem:$0x3F9D] =	sst s1;
	(tag) =	ssettag s2;
	_ =	strace s9  }
0x27: {  	s1 =	sld [smem:$0x3FAD]  }
0x28: {  	s2 =	sld [smem:$0x3FAE]  }
0x29: {  	s4 =	sld [smem:$0x3FB0]  }
0x2a: {  	p0 =	seq.s32 s5, $0x0;
	s5 =	sld [smem:$0x3FB1]  }
0x2b: {  	s6 =	sld [smem:$0x3FB2]  }
0x2c: {  	s7 =	sld [smem:$0x3FB3]  }
0x2d: {  	s3 =	simm.s32 $0x108;
	s8 =	sld [smem:$0x3FB4]  }
0x2e: {  	s3 =	simm.s32 @!p0 $0x1082;
	s9 =	sld [smem:$0x3FB5]  }
0x2f: {  	lr =	sadd.s32 s0, s3;
	s0 =	sld [smem:$0x3FAC]  }
0x30: {  	s3 =	sld [smem:$0x3FAF]  }
0x31: {  	[smem:$0x3FB8] =	sst s10  }
0x32: {  	s10 =	sld [smem:$0x3FB6];
	_ =	sdelay $0x3  }
0x33: {  	p0 =	seq.s32 s10, $0x1;
	s10 =	sld [smem:$0x3FB8];
	_ =	sdelay $0x3  }
0x34: {  	[smem:$0x3FB8] =	sst s10  }
0x35: {  	s10 =	sld [smem:$0x3FB7];
	_ =	sdelay $0x3  }
0x36: {  	p1 =	seq.s32 s10, $0x1;
	s10 =	sld [smem:$0x3FB8];
	_ =	sdelay $0x3  }
0x37: {  	[smem:$0x3FB8] =	sst s10  }
0x38: {  	s10 =	sld [smem:$0x3FB9]  }
0x39: {  	_ = 	snop;
	(pc) =	sbr.ind lr, $3  }
0x3a: {  	_ = 	snop  }
0x3b: {  	_ = 	snop  }
0x3c: {  	p2 =	seq.s32 s10, $0x1;
	s10 =	sld [smem:$0x3FB8]  }
0x3d: {  	_ =	shalt  }
0x3e: {  	_ =	shalt  }
0x3f: {  	_ =	shalt  }
0x40: {  	_ =	shalt  }
0x41: {  	_ =	shalt  }
0x42: {  	_ =	shalt  }
0x43: {  	_ =	shalt  }
0x44: {  	_ =	shalt  }
0x45: {  	_ =	shalt  }
0x46: {  	_ =	shalt  }
0x47: {  	_ =	shalt  }
0x48: {  	_ =	shalt  }
0x49: {  	_ =	shalt  }
0x4a: {  	_ =	shalt  }
0x4b: {  	_ =	shalt  }
0x4c: {  	_ =	shalt  }
0x4d: {  	_ =	shalt  }
0x4e: {  	_ =	shalt  }
0x4f: {  	_ =	shalt  }
0x50: {  	_ =	shalt  }
0x51: {  	_ =	shalt  }
0x52: {  	_ =	shalt  }
0x53: {  	_ =	shalt  }
0x54: {  	_ =	shalt  }
0x55: {  	_ =	shalt  }
0x56: {  	_ =	shalt  }
0x57: {  	_ =	shalt  }
0x58: {  	_ =	shalt  }
0x59: {  	_ =	shalt  }
0x5a: {  	_ =	shalt  }
0x5b: {  	_ =	shalt  }
0x5c: {  	_ =	shalt  }
0x5d: {  	_ =	shalt  }
0x5e: {  	_ =	shalt  }
0x5f: {  	_ =	shalt  }
0x60: {  	_ =	shalt  }
0x61: {  	_ =	shalt  }
0x62: {  	_ =	shalt  }
0x63: {  	_ =	shalt  }
0x64: {  	_ =	shalt  }
0x65: {  	_ =	shalt  }
0x66: {  	_ =	shalt  }
0x67: {  	_ =	shalt  }
0x68: {  	_ =	shalt  }
0x69: {  	_ =	shalt  }
0x6a: {  	_ =	shalt  }
0x6b: {  	_ =	shalt  }
0x6c: {  	_ =	shalt  }
0x6d: {  	_ =	shalt  }
0x6e: {  	_ =	shalt  }
0x6f: {  	_ =	shalt  }
0x70: {  	_ =	shalt  }
0x71: {  	_ =	shalt  }
0x72: {  	_ =	shalt  }
0x73: {  	_ =	shalt  }
0x74: {  	_ =	shalt  }
0x75: {  	_ =	shalt  }
0x76: {  	_ =	shalt  }
0x77: {  	_ =	shalt  }
0x78: {  	_ =	shalt  }
0x79: {  	_ =	shalt  }
0x7a: {  	_ =	shalt  }
0x7b: {  	_ =	shalt  }
0x7c: {  	_ =	shalt  }
0x7d: {  	_ =	shalt  }
0x7e: {  	_ =	shalt  }
0x7f: {  	_ =	shalt  }
0x80: {  	_ =	shalt  }
0x81: {  	_ =	shalt  }
0x82: {  	_ =	shalt  }
0x83: {  	_ =	shalt  }
0x84: {  	_ =	shalt  }
0x85: {  	_ =	shalt  }
0x86: {  	_ =	shalt  }
0x87: {  	_ =	shalt  }
.Lfunc_end0:
.L_simem_size_0:
called_computation.1_lowered:
.L_overlay_start_0:
0x88: {  	s2 =	sld [smem:$0x3FD9]  }
0x89: {  	s3 =	sld [smem:$0x3FFE];
	_ =	sdelay $0x1  }
0x8a: {  	s1 =	srdreg.scid  }
0x8b: {  	s0 =	sand.u32 $0x1, s1  }
0x8c: {  	s17 =	sshll.u32 s0, $0xA;
	s2 =	sadd.s32 s3, s2  }
0x8d: {  	s2 =	sadd.s32 s2, s17  }
0x8e: {  	[smem:$0x3FC4] =	sst s2  }
0x8f: {  	_ = 	snop  }
0x90: {  	s2 =	sld [smem:$0x3FD0];
	(tm) =	ssettm $0x1  }
0x91: {  	s18 =	sld [smem:$0x3FFB];
	_ =	sdelay $0x3  }
0x92: {  	_ =	strace s18  }
0x93: {  	s3 =	sld [smem:$0x3FFC];
	_ =	sdelay $0x3  }
0x94: {  	_ =	strace s3  }
0x95: {  	s3 =	sld [smem:$0x3FFD];
	_ =	sdelay $0x3  }
0x96: {  	_ =	strace s3  }
0x97: {  	_ =	strace $0x8FFFFFFF  }
0x98: {  	s19 =	sld [smem:$0x3FDB];
	_ =	sdelay $0x1  }
0x99: {  	s4 =	simm.s32 $_scs_section_size  }
0x9a: {  	s5 =	simm.s32 $_size__tile_overlayer_lowered;
	s6 =	simm.s32 $_tile_overlayer_lowered  }
0x9b: {  	s22 =	simm.s32 $0x1BFF;
	s21 =	sshll.u32 s6, $0x1;
	s3 =	sadd.s32 s4, s19  }
0x9c: {  	s7 =	simm.s32 $0x0;
	s20 =	sshll.u32 s5, $0x1;
	s5 =	sadd.s32 s21, s3  }
0x9d: {  	[timem:s7], [sflag:s22] =	dma.local [hbm:s5], s20  }
0x9e: {  	_ =	swait.ge [sflag:s22], s20  }
0x9f: {  	s4 =	ssub.s32 $0x0, s20;
	[sflag:s22] =	ssyncset.done $0x0  }
0xa0: {  	[sflag:s22] =	ssyncadd.s32 s4;
	_ =	sdelay $0x1  }
0xa1: {  	s23 =	simm.s32 $0x1B8B  }
0xa2: {  	_ =	swait.ge [sflag:s23], $0x1  }
0xa3: {  	[sflag:s23] =	ssyncset.done $0x0  }
0xa4: {  	s25 =	simm.s32 $0x1B8E;
	s24 =	sld [smem:$0x3FFE];
	[sflag:s23] =	ssyncadd.s32 $0xFFFFFFFF  }
0xa5: {  	s26 =	simm.s32 $execute0_lowered;
	[smem:$0x3FD2] =	sst s25  }
0xa6: {  	s5 =	sshll.u32 s26, $0x1;
	_ =	strace $0x80000046;
	[dreg:$0x1] =	wrdreg $0xFFFFFFFF  }
0xa7: {  	s28 =	simm.s32 $_size_execute0_lowered;
	s3 =	sadd.s32 s3, s5;
	[dreg:$0x0] =	wrdreg $0x0  }
0xa8: {  	s5 =	sshll.u32 s28, $0x1;
	[dreg:$0x2] =	wrdreg s3  }
0xa9: {  	[dreg:$0x3] =	wrdreg s5  }
0xaa: {  	[dreg:$0x4] =	wrdreg $0xC0  }
0xab: {  	_ =	task [dreg:s7], $0x5FFFF  }
0xac: {  	[dreg:$0x1] =	wrdreg $0xFFFFFFFF  }
0xad: {  	[dreg:$0x0] =	wrdreg $0x60  }
0xae: {  	[dreg:$0x2] =	wrdreg s24  }
0xaf: {  	[dreg:$0x3] =	wrdreg s2  }
0xb0: {  	[dreg:$0x4] =	wrdreg $0x9  }
0xb1: {  	_ =	task.clear_ibuf [dreg:s7], $0x5FFFF;
	_ =	strace $0x90000046  }
0xb2: {  	s29 =	simm.s32 $0x9;
	_ =	strace $0x80000048  }
0xb3: {  	_ =	swait.ge [sflag:s29], $0x1  }
0xb4: {  	[sflag:s29] =	ssyncadd.s32 $0xFFFFFFFF  }
0xb5: {  	_ =	strace $0x90000048  }
0xb6: {  	_ =	sfence  }
0xb7: {  	s30 =	sld [smem:$0x0];
	_ =	sdelay $0x2  }
0xb8: {  	s31 =	sshll.u32 s1, $0xD;
	s1 =	sshrl.u32 s1, $0x2  }
0xb9: {  	s3 =	sand.u32 $0x4000, s31;
	s1 =	sadd.s32 s1, s30  }
0xba: {  	s0 =	sor.u32 s3, s0;
	s1 =	sshll.u32 s1, $0x11  }
0xbb: {  	s0 =	sor.u32 s1, s0  }
0xbc: {  	s0 =	sadd.s32 $0x8F2B, s0  }
0xbd: {  	[sflag:s0] =	ssyncadd.remote.s32 $0x1  }
0xbe: {  	_ =	sfence.sel $0xFFFF  }
0xbf: {  	[dreg:$0x0] =	wrdreg $0xFFFFFFFF;
	(pc) =	sbr.abs _section_cstart, $3  }
0xc0: {  	[dreg:$0x1] =	wrdreg $0xFFFFFFFF  }
0xc1: {  	_ =	task.clear_ibuf [dreg:s7], $0x2FFFF;
	_ =	strace $0x9FFFFFFF  }
0xc2: {  	(tm) =	ssettm $0x7FFFFFFF  }
0xc3: {  	_ =	shalt  }
tec
execute0_lowered:
.L_overlay_start_1:
0x0: {  	(tag) =	ssettag $0x1  }
0x1: {  	s0 =	rddreg [dreg:$0x0]  }
0x2: {  	s1 =	srdreg.scid;
	s11 =	stileid.u32  }
0x3: {  	s4 =	rddreg [dreg:$0x1];
	s2 =	simm.s32 $0x0;
	s12 =	simm.s32 $0x7800  }
0x4: {  	s14 =	simm.s32 $0x9400;
	s16 =	simm.s32 $0xB000;
	s28 =	simm.s32 $0x6  }
0x5: {  	s29 =	simm.s32 $0x7;
	s30 =	simm.s32 $0x8;
	s3 =	smul.u32 $0x1C0000, s11  }
0x6: {  	s31 =	simm.s32 $0x0;
	s1 =	sand.u32 $0x1, s1;
	s26 =	smul.u32 $0x38000, s11  }
0x7: {  	[smem:$0x7FF] =	sst s2;
	s18 =	sshll.u32 s11, $0xC;
	s5 =	smul.u32 $0xE0000, s1  }
0x8: {  	_ =	strace $0x80000047;
	s6 =	ssub.s32 $0x2, s1;
	s23 =	sshll.u32 s1, $0xB  }
0x9: {  	s1 =	smul.u32 $0x1C000, s1;
	s7 =	sshrl.u32 s6, $0x1;
	s5 =	sadd.s32 s5, s3  }
0xa: {  	s3 =	sadd.s32 $0x800, s0;
	s0 =	sadd.s32 $0x187200, s0;
	s6 =	ssub.s32 s6, s7  }
0xb: {  	s8 =	sor.u32 $0xC400, s5;
	s9 =	sor.u32 $0xA800, s5;
	s20 =	sor.u32 $0x8C00, s5  }
0xc: {  	s10 =	sor.u32 $0x7000, s5;
	s25 =	sor.u32 $0x5400, s5;
	s5 =	sor.u32 $0x3800, s5  }
0xd: {  	s17 =	sshrl.u32 s8, $0x3;
	s19 =	sshrl.u32 s9, $0x3;
	s9 =	sshrl.u32 s20, $0x3  }
0xe: {  	s22 =	sshrl.u32 s10, $0x3;
	s8 =	sor.u32 s23, s18;
	s5 =	sshrl.u32 s5, $0x3  }
0xf: {  	s10 =	simm.s32 $0x5C00;
	s18 =	simm.s32 $0xCC00;
	s20 =	simm.s32 $0xE800  }
0x10: {  	s23 =	simm.s32 $0x2;
	s7 =	sadd.s32 s17, s0;
	s21 =	sadd.s32 s9, s0  }
0x11: {  	s24 =	sadd.s32 s22, s0;
	s5 =	sadd.s32 s5, s0;
	[dreg:$0x3] =	wrdreg s7  }
0x12: {  	s4 =	sadd.s32 s4, s8;
	s8 =	simm.s32 $0x4000;
	[dreg:$0x5] =	wrdreg s21  }
0x13: {  	s22 =	simm.s32 $0x1;
	s7 =	sadd.s32 s19, s0;
	[dreg:$0x6] =	wrdreg s24  }
0x14: {  	[dreg:$0x8] =	wrdreg s5;
	s5 =	smax.u32 s6, $0x1;
	s6 =	simm.s32 $0x9  }
0x15: {  	s21 =	simm.s32 $0x10400;
	[dreg:$0x4] =	wrdreg s7;
	s7 =	sshrl.u32 s25, $0x3  }
0x16: {  	s24 =	simm.s32 $0x3;
	s7 =	sadd.s32 s7, s0;
	s0 =	sadd.s32 s26, s0  }
0x17: {  	s25 =	simm.s32 $0x4;
	[dreg:$0x7] =	wrdreg s7;
	s0 =	sadd.s32 s1, s0  }
0x18: {  	s26 =	simm.s32 $0x5;
	s7 =	simm.s32 $0x32;
	[dreg:$0x9] =	wrdreg s0  }
.LBB2_1:
0x19: {  	[tilespmem:s2], [sflag:$0x9] =	stream.linear.gather [hbm4b:s4+s2], $0x4000, $0x38;
	[tilespmem:$0x12000] =	vst v63  }
0x1a: {  	_ =	swait.ge [sflag:s6], $0x4000  }
0x1b: {  	[sflag:s6] =	ssyncset.done $0x0  }
0x1c: {  	[sflag:s6] =	ssyncadd.s32 $0xFFFFC000  }
0x1d: {  	[tilespmem:s8], [sflag:$0x1] =	stream.indirect.gather [hbm4b:s3+s7], $0x80, s2, s7, $0xb8;
	[tilespmem:$0x12000] =	vst v63  }
0x1e: {  	s0 =	simm.s32 $0x80  }
0x1f: {  	[tilespmem:s10], [sflag:$0x2] =	stream.indirect.gather [hbm4b:s3+s7], $0x80, s0, s7, $0xb8;
	[tilespmem:$0x12000] =	vst v63  }
0x20: {  	s9 =	simm.s32 $0x100  }
0x21: {  	[tilespmem:s12], [sflag:$0x3] =	stream.indirect.gather [hbm4b:s3+s7], $0x80, s9, s7, $0xb8;
	[tilespmem:$0x12000] =	vst v63  }
0x22: {  	s11 =	simm.s32 $0x180  }
0x23: {  	[tilespmem:s14], [sflag:$0x4] =	stream.indirect.gather [hbm4b:s3+s7], $0x80, s11, s7, $0xb8;
	[tilespmem:$0x12000] =	vst v63  }
0x24: {  	s13 =	simm.s32 $0x200  }
0x25: {  	[tilespmem:s16], [sflag:$0x5] =	stream.indirect.gather [hbm4b:s3+s7], $0x80, s13, s7, $0xb8;
	[tilespmem:$0x12000] =	vst v63  }
0x26: {  	s15 =	simm.s32 $0x280  }
0x27: {  	[tilespmem:s18], [sflag:$0x6] =	stream.indirect.gather [hbm4b:s3+s7], $0x80, s15, s7, $0xb8;
	[tilespmem:$0x12000] =	vst v63  }
0x28: {  	s17 =	simm.s32 $0x300  }
0x29: {  	[tilespmem:s20], [sflag:$0x7] =	stream.indirect.gather [hbm4b:s3+s7], $0x80, s17, s7, $0xb8;
	[tilespmem:$0x12000] =	vst v63  }
0x2a: {  	s19 =	simm.s32 $0x380  }
0x2b: {  	[tilespmem:s21], [sflag:$0x8] =	stream.indirect.gather [hbm4b:s3+s7], $0x80, s19, s7, $0xb8;
	[tilespmem:$0x12000] =	vst v63  }
0x2c: {  	_ =	swait.ge [sflag:s22], $0x1900  }
0x2d: {  	s1 =	rddreg [dreg:$0x9];
	[sflag:s22] =	ssyncset.done $0x0  }
0x2e: {  	[sflag:s22] =	ssyncadd.s32 $0xFFFFE700;
	s1 =	sadd.s32 $0x0, s1  }
0x2f: {  	[hbm4b:s1+s2] =	stream.linear.scatter [tilespmem:s8], [sflag:$0x9], $0x1900, $0x38;
	[tilespmem:$0x12000] =	vst v63  }
0x30: {  	p0 =	por $0x0, $0x0;
	_ =	swait.ge [sflag:s6], $0x1900  }
0x31: {  	s0 =	simm.s32 @!p0 $0x32;
	[sflag:s6] =	ssyncset.done $0x0  }
0x32: {  	s9 =	simm.s32 @!p0 $0x400;
	s11 =	simm.s32 @!p0 $0x4000;
	[sflag:s6] =	ssyncadd.s32 $0xFFFFE700  }
0x33: {  	[tilespmem:s11], [sflag:$0x1] =	stream.indirect.gather @!p0 [hbm4b:s3+s0], $0x80, s9, s0, $0xb8;
	[tilespmem:$0x12000] =	vst v63  }
0x34: {  	_ =	swait.ge [sflag:s23], $0x1900  }
0x35: {  	[sflag:s23] =	ssyncset.done $0x0  }
0x36: {  	s1 =	sadd.s32 $0x380, s1;
	[sflag:s23] =	ssyncadd.s32 $0xFFFFE700  }
0x37: {  	[hbm4b:s1+s2] =	stream.linear.scatter [tilespmem:s10], [sflag:$0x9], $0x1900, $0x38;
	[tilespmem:$0x12000] =	vst v63  }
0x38: {  	_ =	swait.ge [sflag:s6], $0x1900  }
0x39: {  	[sflag:s6] =	ssyncset.done $0x0  }
0x3a: {  	s9 =	simm.s32 @!p0 $0x5C00;
	s1 =	simm.s32 @!p0 $0x480;
	[sflag:s6] =	ssyncadd.s32 $0xFFFFE700  }
0x3b: {  	[tilespmem:s9], [sflag:$0x2] =	stream.indirect.gather @!p0 [hbm4b:s3+s0], $0x80, s1, s0, $0xb8;
	[tilespmem:$0x12000] =	vst v63  }
0x3c: {  	_ =	swait.ge [sflag:s24], $0x1900  }
0x3d: {  	s9 =	rddreg [dreg:$0x8];
	[sflag:s24] =	ssyncset.done $0x0  }
0x3e: {  	[sflag:s24] =	ssyncadd.s32 $0xFFFFE700;
	s1 =	sadd.s32 $0x0, s9  }
0x3f: {  	[hbm4b:s1+s2] =	stream.linear.scatter [tilespmem:s12], [sflag:$0x9], $0x1900, $0x38;
	[tilespmem:$0x12000] =	vst v63  }
0x40: {  	_ =	swait.ge [sflag:s6], $0x1900  }
0x41: {  	[sflag:s6] =	ssyncset.done $0x0  }
0x42: {  	s9 =	simm.s32 @!p0 $0x7800;
	s1 =	simm.s32 @!p0 $0x500;
	[sflag:s6] =	ssyncadd.s32 $0xFFFFE700  }
0x43: {  	[tilespmem:s9], [sflag:$0x3] =	stream.indirect.gather @!p0 [hbm4b:s3+s0], $0x80, s1, s0, $0xb8;
	[tilespmem:$0x12000] =	vst v63  }
0x44: {  	_ =	swait.ge [sflag:s25], $0x1900  }
0x45: {  	s11 =	rddreg [dreg:$0x7];
	[sflag:s25] =	ssyncset.done $0x0  }
0x46: {  	[sflag:s25] =	ssyncadd.s32 $0xFFFFE700;
	s1 =	sadd.s32 $0x0, s11  }
0x47: {  	[hbm4b:s1+s2] =	stream.linear.scatter [tilespmem:s14], [sflag:$0x9], $0x1900, $0x38;
	[tilespmem:$0x12000] =	vst v63  }
0x48: {  	_ =	swait.ge [sflag:s6], $0x1900  }
0x49: {  	[sflag:s6] =	ssyncset.done $0x0  }
0x4a: {  	s9 =	simm.s32 @!p0 $0x9400;
	s1 =	simm.s32 @!p0 $0x580;
	[sflag:s6] =	ssyncadd.s32 $0xFFFFE700  }
0x4b: {  	[tilespmem:s9], [sflag:$0x4] =	stream.indirect.gather @!p0 [hbm4b:s3+s0], $0x80, s1, s0, $0xb8;
	[tilespmem:$0x12000] =	vst v63  }
0x4c: {  	_ =	swait.ge [sflag:s26], $0x1900  }
0x4d: {  	s13 =	rddreg [dreg:$0x6];
	[sflag:s26] =	ssyncset.done $0x0  }
0x4e: {  	[sflag:s26] =	ssyncadd.s32 $0xFFFFE700;
	s1 =	sadd.s32 $0x0, s13  }
0x4f: {  	[hbm4b:s1+s2] =	stream.linear.scatter [tilespmem:s16], [sflag:$0x9], $0x1900, $0x38;
	[tilespmem:$0x12000] =	vst v63  }
0x50: {  	_ =	swait.ge [sflag:s6], $0x1900  }
0x51: {  	[sflag:s6] =	ssyncset.done $0x0  }
0x52: {  	s9 =	simm.s32 @!p0 $0xB000;
	s1 =	simm.s32 @!p0 $0x600;
	[sflag:s6] =	ssyncadd.s32 $0xFFFFE700  }
0x53: {  	[tilespmem:s9], [sflag:$0x5] =	stream.indirect.gather @!p0 [hbm4b:s3+s0], $0x80, s1, s0, $0xb8;
	[tilespmem:$0x12000] =	vst v63  }
0x54: {  	_ =	swait.ge [sflag:s28], $0x1900  }
0x55: {  	s15 =	rddreg [dreg:$0x5];
	[sflag:s28] =	ssyncset.done $0x0  }
0x56: {  	[sflag:s28] =	ssyncadd.s32 $0xFFFFE700;
	s1 =	sadd.s32 $0x0, s15  }
0x57: {  	[hbm4b:s1+s2] =	stream.linear.scatter [tilespmem:s18], [sflag:$0x9], $0x1900, $0x38;
	[tilespmem:$0x12000] =	vst v63  }
0x58: {  	_ =	swait.ge [sflag:s6], $0x1900  }
0x59: {  	[sflag:s6] =	ssyncset.done $0x0  }
0x5a: {  	s9 =	simm.s32 @!p0 $0xCC00;
	s1 =	simm.s32 @!p0 $0x680;
	[sflag:s6] =	ssyncadd.s32 $0xFFFFE700  }
0x5b: {  	[tilespmem:s9], [sflag:$0x6] =	stream.indirect.gather @!p0 [hbm4b:s3+s0], $0x80, s1, s0, $0xb8;
	[tilespmem:$0x12000] =	vst v63  }
0x5c: {  	_ =	swait.ge [sflag:s29], $0x1900  }
0x5d: {  	s17 =	rddreg [dreg:$0x4];
	[sflag:s29] =	ssyncset.done $0x0  }
0x5e: {  	[sflag:s29] =	ssyncadd.s32 $0xFFFFE700;
	s1 =	sadd.s32 $0x0, s17  }
0x5f: {  	[hbm4b:s1+s2] =	stream.linear.scatter [tilespmem:s20], [sflag:$0x9], $0x1900, $0x38;
	[tilespmem:$0x12000] =	vst v63  }
0x60: {  	_ =	swait.ge [sflag:s6], $0x1900  }
0x61: {  	[sflag:s6] =	ssyncset.done $0x0  }
0x62: {  	s9 =	simm.s32 @!p0 $0xE800;
	s1 =	simm.s32 $0x700;
	[sflag:s6] =	ssyncadd.s32 $0xFFFFE700  }
0x63: {  	[tilespmem:s9], [sflag:$0x7] =	stream.indirect.gather @!p0 [hbm4b:s3+s0], $0x80, s1, s0, $0xb8;
	[tilespmem:$0x12000] =	vst v63  }
0x64: {  	_ =	swait.ge [sflag:s30], $0x1900  }
0x65: {  	s19 =	rddreg [dreg:$0x3];
	[sflag:s30] =	ssyncset.done $0x0  }
0x66: {  	s1 =	simm.s32 $0x1C00;
	[sflag:s30] =	ssyncadd.s32 $0xFFFFE700;
	s0 =	sadd.s32 $0x0, s19  }
0x67: {  	[hbm4b:s0+s2] =	stream.linear.scatter [tilespmem:s21], [sflag:$0x9], $0x1900, $0x38;
	[tilespmem:$0x12000] =	vst v63  }
0x68: {  	s9 =	simm.s32 $0x3800;
	s0 =	simm.s32 $0xB00;
	_ =	swait.ge [sflag:s6], $0x1900  }
.LBB2_2:
0x69: {  	[sflag:s6] =	ssyncset.done $0x0  }
0x6a: {  	s13 =	sadd.s32 $0xFFFFFC80, s0;
	[sflag:s6] =	ssyncadd.s32 $0xFFFFE700  }
0x6b: {  	[tilespmem:s21], [sflag:$0x8] =	stream.indirect.gather [hbm4b:s3+s7], $0x80, s13, s7, $0xb8;
	[tilespmem:$0x12000] =	vst v63  }
0x6c: {  	_ =	swait.ge [sflag:s22], $0x1900  }
0x6d: {  	s15 =	rddreg [dreg:$0x9];
	[sflag:s22] =	ssyncset.done $0x0  }
0x6e: {  	[sflag:s22] =	ssyncadd.s32 $0xFFFFE700;
	s15 =	sadd.s32 s1, s15  }
0x6f: {  	[hbm4b:s15+s2] =	stream.linear.scatter [tilespmem:s8], [sflag:$0x9], $0x1900, $0x38;
	[tilespmem:$0x12000] =	vst v63  }
0x70: {  	p1 =	seq.s32 s1, $0x1A400;
	_ =	swait.ge [sflag:s6], $0x1900  }
0x71: {  	s17 =	sadd.s32 @!p1 $0xFFFFFD00, s0;
	[sflag:s6] =	ssyncset.done $0x0  }
0x72: {  	s19 =	simm.s32 @!p1 $0x4000;
	s13 =	simm.s32 @!p1 $0x32;
	[sflag:s6] =	ssyncadd.s32 $0xFFFFE700  }
0x73: {  	[tilespmem:s19], [sflag:$0x1] =	stream.indirect.gather @!p1 [hbm4b:s3+s13], $0x80, s17, s13, $0xb8;
	[tilespmem:$0x12000] =	vst v63  }
0x74: {  	_ =	swait.ge [sflag:s23], $0x1900  }
0x75: {  	[sflag:s23] =	ssyncset.done $0x0  }
0x76: {  	s15 =	sadd.s32 $0x380, s15;
	[sflag:s23] =	ssyncadd.s32 $0xFFFFE700  }
0x77: {  	[hbm4b:s15+s2] =	stream.linear.scatter [tilespmem:s10], [sflag:$0x9], $0x1900, $0x38;
	[tilespmem:$0x12000] =	vst v63  }
0x78: {  	_ =	swait.ge [sflag:s6], $0x1900  }
0x79: {  	[sflag:s6] =	ssyncset.done $0x0  }
0x7a: {  	s17 =	simm.s32 @!p1 $0x5C00;
	s15 =	sadd.s32 @!p1 $0xFFFFFD80, s0;
	[sflag:s6] =	ssyncadd.s32 $0xFFFFE700  }
0x7b: {  	[tilespmem:s17], [sflag:$0x2] =	stream.indirect.gather @!p1 [hbm4b:s3+s13], $0x80, s15, s13, $0xb8;
	[tilespmem:$0x12000] =	vst v63  }
0x7c: {  	_ =	swait.ge [sflag:s24], $0x1900  }
0x7d: {  	s17 =	rddreg [dreg:$0x8];
	[sflag:s24] =	ssyncset.done $0x0  }
0x7e: {  	[sflag:s24] =	ssyncadd.s32 $0xFFFFE700;
	s15 =	sadd.s32 s1, s17  }
0x7f: {  	[hbm4b:s15+s2] =	stream.linear.scatter [tilespmem:s12], [sflag:$0x9], $0x1900, $0x38;
	[tilespmem:$0x12000] =	vst v63  }
0x80: {  	_ =	swait.ge [sflag:s6], $0x1900  }
0x81: {  	[sflag:s6] =	ssyncset.done $0x0  }
0x82: {  	s17 =	simm.s32 @!p1 $0x7800;
	s15 =	sadd.s32 @!p1 $0xFFFFFE00, s0;
	[sflag:s6] =	ssyncadd.s32 $0xFFFFE700  }
0x83: {  	[tilespmem:s17], [sflag:$0x3] =	stream.indirect.gather @!p1 [hbm4b:s3+s13], $0x80, s15, s13, $0xb8;
	[tilespmem:$0x12000] =	vst v63  }
0x84: {  	_ =	swait.ge [sflag:s25], $0x1900  }
0x85: {  	s19 =	rddreg [dreg:$0x7];
	[sflag:s25] =	ssyncset.done $0x0  }
0x86: {  	[sflag:s25] =	ssyncadd.s32 $0xFFFFE700;
	s15 =	sadd.s32 s1, s19  }
0x87: {  	[hbm4b:s15+s2] =	stream.linear.scatter [tilespmem:s14], [sflag:$0x9], $0x1900, $0x38;
	[tilespmem:$0x12000] =	vst v63  }
0x88: {  	_ =	swait.ge [sflag:s6], $0x1900  }
0x89: {  	[sflag:s6] =	ssyncset.done $0x0  }
0x8a: {  	s17 =	simm.s32 @!p1 $0x9400;
	s15 =	sadd.s32 @!p1 $0xFFFFFE80, s0;
	[sflag:s6] =	ssyncadd.s32 $0xFFFFE700  }
0x8b: {  	[tilespmem:s17], [sflag:$0x4] =	stream.indirect.gather @!p1 [hbm4b:s3+s13], $0x80, s15, s13, $0xb8;
	[tilespmem:$0x12000] =	vst v63  }
0x8c: {  	_ =	swait.ge [sflag:s26], $0x1900  }
0x8d: {  	s17 =	rddreg [dreg:$0x6];
	[sflag:s26] =	ssyncset.done $0x0  }
0x8e: {  	[sflag:s26] =	ssyncadd.s32 $0xFFFFE700;
	s15 =	sadd.s32 s1, s17  }
0x8f: {  	[hbm4b:s15+s2] =	stream.linear.scatter [tilespmem:s16], [sflag:$0x9], $0x1900, $0x38;
	[tilespmem:$0x12000] =	vst v63  }
0x90: {  	_ =	swait.ge [sflag:s6], $0x1900  }
0x91: {  	[sflag:s6] =	ssyncset.done $0x0  }
0x92: {  	s17 =	simm.s32 @!p1 $0xB000;
	s15 =	sadd.s32 @!p1 $0xFFFFFF00, s0;
	[sflag:s6] =	ssyncadd.s32 $0xFFFFE700  }
0x93: {  	[tilespmem:s17], [sflag:$0x5] =	stream.indirect.gather @!p1 [hbm4b:s3+s13], $0x80, s15, s13, $0xb8;
	[tilespmem:$0x12000] =	vst v63  }
0x94: {  	_ =	swait.ge [sflag:s28], $0x1900  }
0x95: {  	s19 =	rddreg [dreg:$0x5];
	[sflag:s28] =	ssyncset.done $0x0  }
0x96: {  	[sflag:s28] =	ssyncadd.s32 $0xFFFFE700;
	s15 =	sadd.s32 s1, s19  }
0x97: {  	[hbm4b:s15+s2] =	stream.linear.scatter [tilespmem:s18], [sflag:$0x9], $0x1900, $0x38;
	[tilespmem:$0x12000] =	vst v63  }
0x98: {  	_ =	swait.ge [sflag:s6], $0x1900  }
0x99: {  	[sflag:s6] =	ssyncset.done $0x0  }
0x9a: {  	s17 =	simm.s32 @!p1 $0xCC00;
	s15 =	sadd.s32 @!p1 $0xFFFFFF80, s0;
	[sflag:s6] =	ssyncadd.s32 $0xFFFFE700  }
0x9b: {  	[tilespmem:s17], [sflag:$0x6] =	stream.indirect.gather @!p1 [hbm4b:s3+s13], $0x80, s15, s13, $0xb8;
	[tilespmem:$0x12000] =	vst v63  }
0x9c: {  	_ =	swait.ge [sflag:s29], $0x1900  }
0x9d: {  	s17 =	rddreg [dreg:$0x4];
	[sflag:s29] =	ssyncset.done $0x0  }
0x9e: {  	[sflag:s29] =	ssyncadd.s32 $0xFFFFE700;
	s15 =	sadd.s32 s1, s17  }
0x9f: {  	[hbm4b:s15+s2] =	stream.linear.scatter [tilespmem:s20], [sflag:$0x9], $0x1900, $0x38;
	[tilespmem:$0x12000] =	vst v63  }
0xa0: {  	_ =	swait.ge [sflag:s6], $0x1900  }
0xa1: {  	s11 =	smov.u32 s9;
	s9 =	sadd.s32 $0x1C00, s9;
	[sflag:s6] =	ssyncset.done $0x0  }
0xa2: {  	p0 =	sne.s32 s9, $0x1C000;
	s15 =	simm.s32 @!p1 $0xE800;
	[sflag:s6] =	ssyncadd.s32 $0xFFFFE700  }
0xa3: {  	[tilespmem:s15], [sflag:$0x7] =	stream.indirect.gather @!p1 [hbm4b:s3+s13], $0x80, s0, s13, $0xb8;
	[tilespmem:$0x12000] =	vst v63  }
.Ltmp0:
0xa4: {  	_ =	swait.ge [sflag:s30], $0x1900;
	(pc) =	sbr.rel @p0 .LBB2_2-.Ltmp0, $4  }
0xa5: {  	s19 =	rddreg [dreg:$0x3];
	[sflag:s30] =	ssyncset.done $0x0  }
0xa6: {  	[sflag:s30] =	ssyncadd.s32 $0xFFFFE700;
	s13 =	sadd.s32 s1, s19  }
0xa7: {  	[hbm4b:s13+s2] =	stream.linear.scatter [tilespmem:s21], [sflag:$0x9], $0x1900, $0x38;
	[tilespmem:$0x12000] =	vst v63  }
0xa8: {  	s0 =	sadd.s32 $0x400, s0;
	s1 =	smov.u32 s11;
	_ =	swait.ge [sflag:s6], $0x1900  }
0xa9: {  	[sflag:s6] =	ssyncset.done $0x0  }
0xaa: {  	s9 =	sadd.s32 $0xFFFFFC80, s0;
	[sflag:s6] =	ssyncadd.s32 $0xFFFFE700  }
0xab: {  	[tilespmem:s21], [sflag:$0x8] =	stream.indirect.gather [hbm4b:s3+s7], $0x80, s9, s7, $0xb8;
	[tilespmem:$0x12000] =	vst v63  }
0xac: {  	_ =	swait.ge [sflag:s22], $0x1900  }
0xad: {  	s15 =	rddreg [dreg:$0x9];
	[sflag:s22] =	ssyncset.done $0x0  }
0xae: {  	[sflag:s22] =	ssyncadd.s32 $0xFFFFE700;
	s11 =	sadd.s32 s1, s15  }
0xaf: {  	[hbm4b:s11+s2] =	stream.linear.scatter [tilespmem:s8], [sflag:$0x9], $0x1900, $0x38;
	[tilespmem:$0x12000] =	vst v63  }
0xb0: {  	p0 =	seq.s32 s1, $0x1A400;
	_ =	swait.ge [sflag:s6], $0x1900  }
0xb1: {  	s13 =	sadd.s32 @!p0 $0xFFFFFD00, s0;
	[sflag:s6] =	ssyncset.done $0x0  }
0xb2: {  	s9 =	simm.s32 @!p0 $0x32;
	s15 =	simm.s32 @!p0 $0x4000;
	[sflag:s6] =	ssyncadd.s32 $0xFFFFE700  }
0xb3: {  	[tilespmem:s15], [sflag:$0x1] =	stream.indirect.gather @!p0 [hbm4b:s3+s9], $0x80, s13, s9, $0xb8;
	[tilespmem:$0x12000] =	vst v63  }
0xb4: {  	_ =	swait.ge [sflag:s23], $0x1900  }
0xb5: {  	[sflag:s23] =	ssyncset.done $0x0  }
0xb6: {  	s11 =	sadd.s32 $0x380, s11;
	[sflag:s23] =	ssyncadd.s32 $0xFFFFE700  }
0xb7: {  	[hbm4b:s11+s2] =	stream.linear.scatter [tilespmem:s10], [sflag:$0x9], $0x1900, $0x38;
	[tilespmem:$0x12000] =	vst v63  }
0xb8: {  	_ =	swait.ge [sflag:s6], $0x1900  }
0xb9: {  	[sflag:s6] =	ssyncset.done $0x0  }
0xba: {  	s13 =	simm.s32 @!p0 $0x5C00;
	s11 =	sadd.s32 @!p0 $0xFFFFFD80, s0;
	[sflag:s6] =	ssyncadd.s32 $0xFFFFE700  }
0xbb: {  	[tilespmem:s13], [sflag:$0x2] =	stream.indirect.gather @!p0 [hbm4b:s3+s9], $0x80, s11, s9, $0xb8;
	[tilespmem:$0x12000] =	vst v63  }
0xbc: {  	_ =	swait.ge [sflag:s24], $0x1900  }
0xbd: {  	s17 =	rddreg [dreg:$0x8];
	[sflag:s24] =	ssyncset.done $0x0  }
0xbe: {  	[sflag:s24] =	ssyncadd.s32 $0xFFFFE700;
	s11 =	sadd.s32 s1, s17  }
0xbf: {  	[hbm4b:s11+s2] =	stream.linear.scatter [tilespmem:s12], [sflag:$0x9], $0x1900, $0x38;
	[tilespmem:$0x12000] =	vst v63  }
0xc0: {  	_ =	swait.ge [sflag:s6], $0x1900  }
0xc1: {  	[sflag:s6] =	ssyncset.done $0x0  }
0xc2: {  	s13 =	simm.s32 @!p0 $0x7800;
	s11 =	sadd.s32 @!p0 $0xFFFFFE00, s0;
	[sflag:s6] =	ssyncadd.s32 $0xFFFFE700  }
0xc3: {  	[tilespmem:s13], [sflag:$0x3] =	stream.indirect.gather @!p0 [hbm4b:s3+s9], $0x80, s11, s9, $0xb8;
	[tilespmem:$0x12000] =	vst v63  }
0xc4: {  	_ =	swait.ge [sflag:s25], $0x1900  }
0xc5: {  	s19 =	rddreg [dreg:$0x7];
	[sflag:s25] =	ssyncset.done $0x0  }
0xc6: {  	[sflag:s25] =	ssyncadd.s32 $0xFFFFE700;
	s11 =	sadd.s32 s1, s19  }
0xc7: {  	[hbm4b:s11+s2] =	stream.linear.scatter [tilespmem:s14], [sflag:$0x9], $0x1900, $0x38;
	[tilespmem:$0x12000] =	vst v63  }
0xc8: {  	_ =	swait.ge [sflag:s6], $0x1900  }
0xc9: {  	[sflag:s6] =	ssyncset.done $0x0  }
0xca: {  	s13 =	simm.s32 @!p0 $0x9400;
	s11 =	sadd.s32 @!p0 $0xFFFFFE80, s0;
	[sflag:s6] =	ssyncadd.s32 $0xFFFFE700  }
0xcb: {  	[tilespmem:s13], [sflag:$0x4] =	stream.indirect.gather @!p0 [hbm4b:s3+s9], $0x80, s11, s9, $0xb8;
	[tilespmem:$0x12000] =	vst v63  }
0xcc: {  	_ =	swait.ge [sflag:s26], $0x1900  }
0xcd: {  	s13 =	rddreg [dreg:$0x6];
	[sflag:s26] =	ssyncset.done $0x0  }
0xce: {  	[sflag:s26] =	ssyncadd.s32 $0xFFFFE700;
	s11 =	sadd.s32 s1, s13  }
0xcf: {  	[hbm4b:s11+s2] =	stream.linear.scatter [tilespmem:s16], [sflag:$0x9], $0x1900, $0x38;
	[tilespmem:$0x12000] =	vst v63  }
0xd0: {  	_ =	swait.ge [sflag:s6], $0x1900  }
0xd1: {  	[sflag:s6] =	ssyncset.done $0x0  }
0xd2: {  	s13 =	simm.s32 @!p0 $0xB000;
	s11 =	sadd.s32 @!p0 $0xFFFFFF00, s0;
	[sflag:s6] =	ssyncadd.s32 $0xFFFFE700  }
0xd3: {  	[tilespmem:s13], [sflag:$0x5] =	stream.indirect.gather @!p0 [hbm4b:s3+s9], $0x80, s11, s9, $0xb8;
	[tilespmem:$0x12000] =	vst v63  }
0xd4: {  	_ =	swait.ge [sflag:s28], $0x1900  }
0xd5: {  	s15 =	rddreg [dreg:$0x5];
	[sflag:s28] =	ssyncset.done $0x0  }
0xd6: {  	[sflag:s28] =	ssyncadd.s32 $0xFFFFE700;
	s11 =	sadd.s32 s1, s15  }
0xd7: {  	[hbm4b:s11+s2] =	stream.linear.scatter [tilespmem:s18], [sflag:$0x9], $0x1900, $0x38;
	[tilespmem:$0x12000] =	vst v63  }
0xd8: {  	_ =	swait.ge [sflag:s6], $0x1900  }
0xd9: {  	[sflag:s6] =	ssyncset.done $0x0  }
0xda: {  	s13 =	simm.s32 @!p0 $0xCC00;
	s11 =	sadd.s32 @!p0 $0xFFFFFF80, s0;
	[sflag:s6] =	ssyncadd.s32 $0xFFFFE700  }
0xdb: {  	[tilespmem:s13], [sflag:$0x6] =	stream.indirect.gather @!p0 [hbm4b:s3+s9], $0x80, s11, s9, $0xb8;
	[tilespmem:$0x12000] =	vst v63  }
0xdc: {  	_ =	swait.ge [sflag:s29], $0x1900  }
0xdd: {  	s17 =	rddreg [dreg:$0x4];
	[sflag:s29] =	ssyncset.done $0x0  }
0xde: {  	[sflag:s29] =	ssyncadd.s32 $0xFFFFE700;
	s11 =	sadd.s32 s1, s17  }
0xdf: {  	[hbm4b:s11+s2] =	stream.linear.scatter [tilespmem:s20], [sflag:$0x9], $0x1900, $0x38;
	[tilespmem:$0x12000] =	vst v63  }
0xe0: {  	_ =	swait.ge [sflag:s6], $0x1900  }
0xe1: {  	[sflag:s6] =	ssyncset.done $0x0  }
0xe2: {  	s11 =	simm.s32 @!p0 $0xE800;
	[sflag:s6] =	ssyncadd.s32 $0xFFFFE700  }
0xe3: {  	[tilespmem:s11], [sflag:$0x7] =	stream.indirect.gather @!p0 [hbm4b:s3+s9], $0x80, s0, s9, $0xb8;
	[tilespmem:$0x12000] =	vst v63  }
0xe4: {  	s31 =	sadd.s32 $0x1, s31;
	_ =	swait.ge [sflag:s30], $0x1900  }
0xe5: {  	p0 =	sne.s32 s31, s5;
	s19 =	rddreg [dreg:$0x3];
	[sflag:s30] =	ssyncset.done $0x0  }
.Ltmp1:
0xe6: {  	s0 =	sadd.s32 s1, s19;
	[sflag:s30] =	ssyncadd.s32 $0xFFFFE700;
	(pc) =	sbr.rel @p0 .LBB2_1-.Ltmp1, $4  }
0xe7: {  	[hbm4b:s0+s2] =	stream.linear.scatter [tilespmem:s21], [sflag:$0x9], $0x1900, $0x38;
	[tilespmem:$0x12000] =	vst v63  }
0xe8: {  	_ =	swait.ge [sflag:s6], $0x1900  }
0xe9: {  	[sflag:s6] =	ssyncset.done $0x0  }
0xea: {  	[sflag:s6] =	ssyncadd.s32 $0xFFFFE700  }
0xeb: {  	_ =	sfence.sel $0x180000  }
0xec: {  	[bflag:$0x0] =	sbarrier.arrive $0xFFFF  }
0xed: {  	_ =	strace $0x90000047  }
0xee: {  	s0 =	stileid.u32;
	[bflag:$0x2] =	sbarrier.arrive $0xFFFF  }
0xef: {  	p0 =	sne.s32 s0, $0x0;
	s0 =	rddreg [dreg:$0x2]  }
0xf0: {  	s0 =	sadd.s32 @!p0 $0x100000, s0  }
0xf1: {  	[sflag:s0] =	ssyncadd.tile.s32 @!p0 $0x1;
	_ =	shalt  }
.Lfunc_end2:
_tile_overlayer_lowered:
.L_overlay_start_2:
0xf2: {  	(tag) =	ssettag $0x2  }
0xf3: {  	s0 =	rddreg [dreg:$0x0];
	s2 =	stileid.u32  }
0xf4: {  	s1 =	rddreg [dreg:$0x1];
	p0 =	sne.s32 s2, $0x0  }
0xf5: {  	s3 =	rddreg [dreg:$0x2];
	[bflag:$0x3] =	sbarrier.arrive $0xFFFF;
	s2 =	simm.s32 @!p0 $0x1C09  }
0xf6: {  	[timem:s3], [sflag:s2] =	dma.local @!p0 [hbm:s0], s1  }
0xf7: {  	s0 =	simm.s32 @!p0 $0x9  }
0xf8: {  	_ =	swait.ge @!p0 [sflag:s0], s1  }
0xf9: {  	s1 =	ssub.s32 @!p0 $0x0, s1;
	[sflag:s0] =	ssyncset.done @!p0 $0x0  }
0xfa: {  	[sflag:s0] =	ssyncadd.s32 @!p0 s1  }
0xfb: {  	[bflag:$0x3] =	sbarrier.arrive $0xFFFF  }
0xfc: {  	_ =	shalt  }

// kernel: sparse-core-data-format-call.cloned.1.call-start
scs
called_computation_lowered:
.L_overlay_start_0:
0x0: {  	s2 =	sld [smem:$0x3FD9]  }
0x1: {  	s3 =	sld [smem:$0x3FFE];
	_ =	sdelay $0x1  }
0x2: {  	s1 =	srdreg.scid  }
0x3: {  	s0 =	sand.u32 $0x1, s1  }
0x4: {  	s18 =	sshll.u32 s0, $0xA;
	s2 =	sadd.s32 s3, s2  }
0x5: {  	s2 =	sadd.s32 s2, s18  }
0x6: {  	[smem:$0x3FC4] =	sst s2  }
0x7: {  	_ = 	snop  }
0x8: {  	s2 =	sld [smem:$0x3FD0];
	(tm) =	ssettm $0x1  }
0x9: {  	s19 =	sld [smem:$0x3FFB];
	_ =	sdelay $0x3  }
0xa: {  	_ =	strace s19  }
0xb: {  	s3 =	sld [smem:$0x3FFC];
	_ =	sdelay $0x3  }
0xc: {  	_ =	strace s3  }
0xd: {  	s3 =	sld [smem:$0x3FFD];
	_ =	sdelay $0x3  }
0xe: {  	_ =	strace s3  }
0xf: {  	_ =	strace $0x8FFFFFFF  }
0x10: {  	s20 =	sld [smem:$0x3FDB];
	_ =	sdelay $0x1  }
0x11: {  	s4 =	simm.s32 $_scs_section_size  }
0x12: {  	s5 =	simm.s32 $_size__tile_overlayer_lowered;
	s6 =	simm.s32 $_tile_overlayer_lowered  }
0x13: {  	s23 =	simm.s32 $0x1BFF;
	s22 =	sshll.u32 s6, $0x1;
	s3 =	sadd.s32 s4, s20  }
0x14: {  	s7 =	simm.s32 $0x0;
	s21 =	sshll.u32 s5, $0x1;
	s5 =	sadd.s32 s22, s3  }
0x15: {  	[timem:s7], [sflag:s23] =	dma.local [hbm:s5], s21  }
0x16: {  	_ =	swait.ge [sflag:s23], s21  }
0x17: {  	s4 =	ssub.s32 $0x0, s21;
	[sflag:s23] =	ssyncset.done $0x0  }
0x18: {  	[sflag:s23] =	ssyncadd.s32 s4;
	_ =	sdelay $0x1  }
0x19: {  	s24 =	simm.s32 $0x1B8B  }
0x1a: {  	_ =	swait.ge [sflag:s24], $0x1  }
0x1b: {  	[sflag:s24] =	ssyncset.done $0x0  }
0x1c: {  	s26 =	simm.s32 $0x1B8E;
	s25 =	sld [smem:$0x3FFE];
	[sflag:s24] =	ssyncadd.s32 $0xFFFFFFFF  }
0x1d: {  	s27 =	simm.s32 $execute0_lowered;
	[smem:$0x3FD2] =	sst s26  }
0x1e: {  	s5 =	sshll.u32 s27, $0x1;
	_ =	strace $0x80000049;
	[dreg:$0x1] =	wrdreg $0xFFFFFFFF  }
0x1f: {  	s28 =	simm.s32 $_size_execute0_lowered;
	s3 =	sadd.s32 s3, s5;
	[dreg:$0x0] =	wrdreg $0x0  }
0x20: {  	s5 =	sshll.u32 s28, $0x1;
	[dreg:$0x2] =	wrdreg s3  }
0x21: {  	[dreg:$0x3] =	wrdreg s5  }
0x22: {  	[dreg:$0x4] =	wrdreg $0xC0  }
0x23: {  	_ =	task [dreg:s7], $0x5FFFF  }
0x24: {  	[dreg:$0x1] =	wrdreg $0xFFFFFFFF  }
0x25: {  	[dreg:$0x0] =	wrdreg $0x60  }
0x26: {  	[dreg:$0x2] =	wrdreg s25  }
0x27: {  	[dreg:$0x3] =	wrdreg s2  }
0x28: {  	[dreg:$0x4] =	wrdreg $0x9  }
0x29: {  	_ =	task.clear_ibuf [dreg:s7], $0x5FFFF;
	_ =	strace $0x90000049  }
0x2a: {  	s29 =	simm.s32 $0x9;
	_ =	strace $0x8000004B  }
0x2b: {  	_ =	swait.ge [sflag:s29], $0x1  }
0x2c: {  	[sflag:s29] =	ssyncadd.s32 $0xFFFFFFFF  }
0x2d: {  	_ =	strace $0x9000004B  }
0x2e: {  	_ =	sfence  }
0x2f: {  	s30 =	sld [smem:$0x0];
	_ =	sdelay $0x2  }
0x30: {  	s31 =	sshll.u32 s1, $0xD;
	s1 =	sshrl.u32 s1, $0x2  }
0x31: {  	s3 =	sand.u32 $0x4000, s31;
	s1 =	sadd.s32 s1, s30  }
0x32: {  	s0 =	sor.u32 s3, s0;
	s1 =	sshll.u32 s1, $0x11  }
0x33: {  	s0 =	sor.u32 s1, s0  }
0x34: {  	s0 =	sadd.s32 $0x8F2B, s0  }
0x35: {  	[sflag:s0] =	ssyncadd.remote.s32 $0x1  }
0x36: {  	_ =	sfence.sel $0xFFFF  }
0x37: {  	[dreg:$0x0] =	wrdreg $0xFFFFFFFF;
	(pc) =	sbr.abs _section_cstart, $3  }
0x38: {  	[dreg:$0x1] =	wrdreg $0xFFFFFFFF  }
0x39: {  	_ =	task.clear_ibuf [dreg:s7], $0x2FFFF;
	_ =	strace $0x9FFFFFFF  }
0x3a: {  	(tm) =	ssettm $0x7FFFFFFF  }
0x3b: {  	_ =	shalt  }
tec
execute0_lowered:
.L_overlay_start_1:
0x0: {  	(tag) =	ssettag $0x1  }
0x1: {  	s0 =	srdreg.scid  }
0x2: {  	s1 =	sshll.u32 s0, $0x4  }
0x3: {  	s6 =	rddreg [dreg:$0x0];
	s0 =	stileid.u32;
	s1 =	sand.u32 $0x10, s1  }
0x4: {  	s3 =	rddreg [dreg:$0x1];
	s1 =	sor.u32 s0, s1  }
0x5: {  	s5 =	simm.s32 $0x1;
	s31 =	simm.s32 $0x2;
	s2 =	sshll.u32 s1, $0x7  }
0x6: {  	s15 =	simm.s32 $0x0;
	s8 =	simm.s32 $0x8000;
	s4 =	ssub.s32 $0x1000, s2  }
0x7: {  	s14 =	simm.s32 $0x0;
	s9 =	simm.s32 $0x0;
	s30 =	sand.u32 $0xF80, s4  }
0x8: {  	s10 =	simm.s32 $0x0;
	s11 =	simm.s32 $0x0;
	p0 =	sne.s32 s30, $0x0  }
.Ltmp0:
0x9: {  	s7 =	sshrl.u32 s4, $0xC;
	s5 =	simm.s32 @!p0 $0x0;
	(pc) =	sbr.rel .LBB1_1-.Ltmp0, $4  }
0xa: {  	s13 =	simm.s32 $0x0;
	s1 =	rddreg [dreg:$0x2];
	s5 =	sadd.s32 s5, s7  }
0xb: {  	_ =	strace $0x8000004A;
	s4 =	simm.s32 $0x1;
	s5 =	smul.u32 $0x32, s5  }
0xc: {  	s6 =	sadd.s32 $0x187200, s6;
	s12 =	smov.u32 s2;
	[sflag:s4] =	ssyncpa.u1 $0x0  }
0xd: {  	[sflag:s31] =	ssyncpa.u1 $0x0;
	p0 =	por $0x0, $0x0;
	s7 =	sor.u32 $0x1, s5  }
.LBB1_4:
0xe: {  	s18 =	sshll.u32 s10, $0x3  }
0xf: {  	p1 =	sgt.s32 s9, $0x31;
	s19 =	smov.u32 s9;
	s21 =	sshra.s32 s9, $0x1F  }
0x10: {  	s22 =	smov.u32 s10;
	s23 =	sshra.s32 s10, $0x1F;
	s25 =	sand.u32 $0x78, s10  }
0x11: {  	s27 =	smul.u32 $0x7000, s9;
	s28 =	sand.u32 $0x7, s10;
	s20 =	sshrl.u32 s18, $0xC  }
0x12: {  	s19 =	simm.s32 @!p1 $0x31;
	s21 =	sand.u32 s21, s9;
	p1 =	sgt.s32 s10, $0xF80  }
0x13: {  	s30 =	sand.u32 s23, s10;
	s18 =	sand.u32 $0xC00, s18;
	s19 =	ssub.s32 s19, s21  }
0x14: {  	s22 =	simm.s32 @!p1 $0xF80;
	s31 =	smulhi.u32 $0x4924925, s20;
	s24 =	ssub.s32 $0x32, s19  }
0x15: {  	s21 =	ssub.s32 s22, s30;
	s19 =	sadd.s32 $0xFFFFFFCF, s19;
	s24 =	smul.u32 $0x38, s24  }
0x16: {  	s23 =	smul.u32 $0x38, s31;
	p1 =	sgt.s32 s19, $0x0;
	s26 =	sadd.s32 $0xFFFFF080, s21  }
0x17: {  	s19 =	ssub.s32 $0x1000, s21;
	s24 =	simm.s32 @p1 $0x0;
	p1 =	sgt.s32 s26, $0x7F  }
0x18: {  	s18 =	sor.u32 s25, s18;
	s20 =	ssub.s32 s20, s23;
	s19 =	simm.s32 @p1 $0x0  }
0x19: {  	[tilespmem:s17+$0x810 ss:$0x81] =	vst.msk $0xffff, v2;
	s21 =	sadd.s32 s3, s27;
	s20 =	sshll.u32 s20, $0x9;
	s19 =	smul.u32 s19, s24  }
0x1a: {  	[tilespmem:s17+$0x1020 ss:$0x81] =	vst.msk $0xffff, v0;
	s29 =	sshll.u32 s28, $0x12;
	s18 =	sshrl.u32 s18, $0x3;
	s20 =	sadd.s32 s20, s21  }
0x1b: {  	[tilespmem:s17+$0x0 ss:$0x81] =	vst.msk $0xffff, v1;
	s31 =	sor.u32 $0x400, s29;
	s18 =	sadd.s32 s18, s20;
	s30 =	sand.u32 $0x3FFFFFF8, s19  }
0x1c: {  	[hbm4b:s18+s31] =	stream.strided.scatter [tilespmem:s16], [sflag:$0x2], s30, s8, s31, $0x20;
	[tilespmem:$0x8080] =	vst v63  }
.LBB1_5:
0x1d: {  	p1 =	slt.u32 s13, $0x2  }
0x1e: {  	s17 =	smov.u32 s15;
	p2 =	sgt.s32 @!p1 s15, $0x31;
	s16 =	sshra.s32 @!p1 s15, $0x1F  }
0x1f: {  	p3 =	sgt.s32 @!p1 s14, $0xF80;
	s18 =	sshra.s32 @!p1 s14, $0x1F;
	p2 =	por !p2, p1  }
0x20: {  	s15 =	sand.u32 @!p1 s16, s15;
	p3 =	por !p3, p1;
	s16 =	smov.u32 s14  }
0x21: {  	s14 =	sand.u32 @!p1 s18, s14;
	s17 =	simm.s32 @p2 $0x31;
	s16 =	simm.s32 @p3 $0xF80  }
0x22: {  	s18 =	smov.u32 s12;
	s15 =	ssub.s32 @!p1 s17, s15;
	s14 =	ssub.s32 @!p1 s16, s14  }
0x23: {  	s16 =	sadd.s32 @!p1 $0xFFFFFFCF, s15;
	s15 =	ssub.s32 @!p1 $0x32, s15;
	s17 =	sadd.s32 @!p1 $0xFFFFF080, s14  }
0x24: {  	p2 =	sgt.s32 @!p1 s16, $0x0;
	s15 =	smul.u32 @!p1 $0x38, s15;
	p3 =	sgt.s32 @!p1 s17, $0x7F  }
0x25: {  	s14 =	ssub.s32 @!p1 $0x1000, s14;
	p2 =	por !p2, p1;
	p3 =	por !p3, p1  }
0x26: {  	s16 =	sadd.s32 $0x1, s11;
	s15 =	simm.s32 @!p2 $0x0;
	s14 =	simm.s32 @!p3 $0x0  }
0x27: {  	p2 =	sgt.s32 s16, $0x31;
	s14 =	smul.u32 @!p1 s14, s15;
	s15 =	sadd.s32 $0x1000, s12  }
0x28: {  	s18 =	smov.u32 @p2 s15  }
0x29: {  	s16 =	simm.s32 @p2 $0x0;
	p2 =	sgt.s32 s18, $0xFFF  }
0x2a: {  	s18 =	smov.u32 @p2 s2;
	p2 =	sne.s32 s13, s7  }
.Ltmp1:
0x2b: {  	p0 =	por !p0, !p0;
	s17 =	simm.s32 @!p1 $0x2;
	(pc) =	sbr.rel @!p2 .LBB1_6-.Ltmp1, $4  }
0x2c: {  	s15 =	smov.u32 s9;
	s9 =	smov.u32 s11;
	s14 =	sand.u32 @!p1 $0x3FFFFFF8, s14  }
0x2d: {  	s11 =	smov.u32 s16;
	_ =	swait.ge @!p1 [sflag:s17], s14;
	s19 =	ssub.s32 @!p1 $0x0, s14  }
0x2e: {  	s14 =	smov.u32 s10;
	s13 =	sadd.s32 $0x1, s13;
	[sflag:s17] =	ssyncset.done @!p1 $0x0  }
0x2f: {  	s10 =	smov.u32 s12;
	s12 =	smov.u32 s18;
	[sflag:s17] =	ssyncadd.s32 @!p1 s19  }
.LBB1_1:
0x30: {  	p1 =	sge.u32 s13, s5  }
0x31: {  	s16 =	sand.u32 @!p1 $0x1FFFFFF, s11  }
0x32: {  	s17 =	smulhi.u32 @!p1 $0x4924925, s16;
	_ =	sdelay $0x1  }
0x33: {  	s17 =	smul.u32 @!p1 $0x38, s17  }
0x34: {  	s18 =	sxor.u32 @!p1 $0xFFFFFFFF, s13;
	s19 =	smul.u32 @!p1 $0x380, s12  }
0x35: {  	s31 =	sadd.s32 $0xFFFFFFFF, s13;
	s18 =	sshll.u32 @!p1 s18, $0xD;
	s16 =	ssub.s32 @!p1 s16, s17  }
0x36: {  	s17 =	sand.u32 @!p1 $0x2000, s18;
	s18 =	sadd.s32 @!p1 s6, s19;
	s16 =	sshll.u32 @!p1 s16, $0x4  }
0x37: {  	s19 =	simm.s32 @!p1 $0x1C00;
	s16 =	sadd.s32 @!p1 s16, s18;
	s18 =	simm.s32 @!p1 $0x40  }
0x38: {  	[tilespmem:s17], [sflag:$0x1] =	stream.strided.gather @!p1 [hbm4b:s16+s18], $0x2000, s19, s18, $0x38;
	[tilespmem:$0x8080] =	vst v63  }
0x39: {  	p1 =	sge.u32 s31, s5  }
.Ltmp2:
0x3a: {  	_ = 	snop;
	(pc) =	sbr.rel @p1 .LBB1_5-.Ltmp2, $1  }
0x3b: {  	_ =	sdelay $0x3  }
0x3c: {  	s16 =	simm.s32 $0x1  }
0x3d: {  	_ =	swait.ge [sflag:s4], $0x2000;
	s16 =	simm.s32 @!p0 $0x0  }
0x3e: {  	[sflag:s4] =	ssyncset.done $0x0;
	s17 =	sshll.u32 s16, $0xD  }
0x3f: {  	[sflag:s4] =	ssyncadd.s32 $0xFFFFE000;
	s20 =	sor.u32 $0x20, s17  }
0x40: {  	s16 =	smul.u32 $0x8100, s16;
	v3 =	vld [tilespmem:s20+$0x10]  }
0x41: {  	s30 =	sand.u32 $0x1, s13;
	v2 =	vld [tilespmem:s20+$0xFFFFFFF0]  }
0x42: {  	s17 =	smul.u32 $0x8100, s30;
	s16 =	sshrl.u32 s16, $0x2;
	v0 =	vld [tilespmem:s20+$0x0]  }
0x43: {  	v1 =	vld [tilespmem:s20+$0xFFFFFFE0];
	s18 =	sor.u32 $0x4000, s16  }
0x44: {  	s31 =	sshrl.u32 s17, $0x2;
	s17 =	sadd.s32 $0x0, s18  }
0x45: {  	s19 =	simm.s32 $0x4;
	s20 =	sadd.s32 $0x40, s20;
	s16 =	sor.u32 $0x4000, s31;
	[tilespmem:s17+$0x1830 ss:$0x81] =	vst.msk $0xffff, v3  }
.LBB1_3:
0x46: {  	v3 =	vld [tilespmem:s20+$0x10];
	p1 =	sne.s32 s19, $0x1FC;
	[tilespmem:s17+$0x810 ss:$0x81] =	vst.msk $0xffff, v2;
	s21 =	smov.u32 s19;
	s19 =	sadd.s32 $0x4, s19  }
.Ltmp3:
0x47: {  	v2 =	vld [tilespmem:s20+$0xFFFFFFF0];
	[tilespmem:s17+$0x1020 ss:$0x81] =	vst.msk $0xffff, v0;
	(pc) =	sbr.rel @p1 .LBB1_3-.Ltmp3, $4  }
0x48: {  	v0 =	vld [tilespmem:s20+$0x0];
	[tilespmem:s17+$0x0 ss:$0x81] =	vst.msk $0xffff, v1  }
0x49: {  	s17 =	sshra.s32 s21, $0x2;
	v1 =	vld [tilespmem:s20+$0xFFFFFFE0]  }
0x4a: {  	s17 =	sadd.s32 s17, s18  }
0x4b: {  	s20 =	sadd.s32 $0x40, s20;
	[tilespmem:s17+$0x1830 ss:$0x81] =	vst.msk $0xffff, v3  }
.Ltmp4:
0x4c: {  	_ = 	snop;
	(pc) =	sbr.rel .LBB1_4-.Ltmp4, $1  }
0x4d: {  	_ =	sdelay $0x3  }
.LBB1_6:
0x4e: {  	_ =	sfence.sel $0x180000  }
0x4f: {  	s2 =	simm.s32 $0x1;
	[bflag:$0x0] =	sbarrier.arrive $0xFFFF  }
0x50: {  	s31 =	simm.s32 $0x2;
	[sflag:s2] =	ssyncpa.u1 $0x1  }
0x51: {  	[sflag:s31] =	ssyncpa.u1 $0x1  }
0x52: {  	p0 =	sne.s32 s0, $0x0;
	_ =	strace $0x9000004A  }
0x53: {  	s0 =	sadd.s32 @!p0 $0x100000, s1;
	[bflag:$0x2] =	sbarrier.arrive $0xFFFF  }
0x54: {  	[sflag:s0] =	ssyncadd.tile.s32 @!p0 $0x1;
	_ =	shalt  }
.Lfunc_end1:
_tile_overlayer_lowered:
.L_overlay_start_2:
0x55: {  	(tag) =	ssettag $0x2  }
0x56: {  	s0 =	rddreg [dreg:$0x0];
	s2 =	stileid.u32  }
0x57: {  	s1 =	rddreg [dreg:$0x1];
	p0 =	sne.s32 s2, $0x0  }
0x58: {  	s3 =	rddreg [dreg:$0x2];
	[bflag:$0x3] =	sbarrier.arrive $0xFFFF;
	s2 =	simm.s32 @!p0 $0x1C01  }
0x59: {  	[timem:s3], [sflag:s2] =	dma.local @!p0 [hbm:s0], s1  }
0x5a: {  	s0 =	simm.s32 @!p0 $0x1  }
0x5b: {  	_ =	swait.ge @!p0 [sflag:s0], s1  }
0x5c: {  	s1 =	ssub.s32 @!p0 $0x0, s1;
	[sflag:s0] =	ssyncset.done @!p0 $0x0  }
0x5d: {  	[sflag:s0] =	ssyncadd.s32 @!p0 s1  }
0x5e: {  	[bflag:$0x3] =	sbarrier.arrive $0xFFFF  }
0x5f: {  	_ =	shalt  }

</sc_bundles>
